<compile_context>
chip_gen: v7x
topology: tpu7x:2x2x1
jax: 0.10.2.dev20260603
libtpu: 0.0.44.dev20260713+nightly
codegen_flags: <defaults>
</compile_context>

<pallas_src>
import functools

import jax
import jax.numpy as jnp
from jax import lax
from jax.experimental import pallas as pl
from jax.experimental.pallas import tpu as pltpu
from jax.experimental.pallas import tpu_sc as plsc

NC = 2
NS = 16
NW = NC * NS

NBUF = 4
LANES = 16


def _emb_lookup(x, table):
    batch, hist = x.shape
    dp = table.shape[1]
    d = dp // 2
    bw = batch // NW
    mesh = plsc.VectorSubcoreMesh(core_axis_name="c", subcore_axis_name="s")

    @functools.partial(
        pl.kernel,
        out_type=jax.ShapeDtypeStruct((batch, hist, d), jnp.float32),
        mesh=mesh,
        scratch_types=(
            [pltpu.VMEM((bw, hist), jnp.int32)]
            + [pltpu.VMEM((hist, dp), jnp.float32)] * NBUF
            + [pltpu.VMEM((hist, d), jnp.float32)] * 2
            + [pltpu.SemaphoreType.DMA] * (NBUF + 2)
        ),
        compiler_params=pltpu.CompilerParams(use_tc_tiling_on_sc=True),
    )
    def k(x_hbm, table_hbm, out_hbm, idx_v, *bufs_sems):
        bufs = bufs_sems[:NBUF]
        stages = bufs_sems[NBUF:NBUF + 2]
        sems = bufs_sems[NBUF + 2:NBUF + 2 + NBUF]
        wsems = bufs_sems[NBUF + 2 + NBUF:]
        wid = lax.axis_index("s") * NC + lax.axis_index("c")
        base = wid * bw

        pltpu.sync_copy(x_hbm.at[pl.ds(base, bw)], idx_v)

        for b in range(NBUF):
            pltpu.async_copy(table_hbm.at[idx_v.at[b]], bufs[b], sems[b])

        @pl.loop(0, bw, step=NBUF)
        def _(j):
            for b in range(NBUF):
                jj = j + b
                s = b % 2
                pltpu.make_async_copy(
                    table_hbm.at[idx_v.at[jj]], bufs[b], sems[b]
                ).wait()

                @pl.when(jj >= 2)
                def _():
                    pltpu.make_async_copy(
                        stages[s], out_hbm.at[base], wsems[s]
                    ).wait()

                @pl.loop(0, hist)
                def _(h):
                    for c in range(d // LANES):
                        stages[s][h, pl.ds(c * LANES, LANES)] = bufs[b][
                            h, pl.ds(c * LANES, LANES)
                        ]

                @pl.when(jj + NBUF < bw)
                def _():
                    pltpu.async_copy(
                        table_hbm.at[idx_v.at[jj + NBUF]], bufs[b], sems[b]
                    )

                pltpu.async_copy(stages[s], out_hbm.at[base + jj], wsems[s])

        for s in range(2):
            pltpu.make_async_copy(stages[s], out_hbm.at[base], wsems[s]).wait()

    return k(x, table)


def kernel(x, table):
    d = table.shape[1]
    table_p = jnp.pad(table, ((0, 0), (0, d)))
    return _emb_lookup(x.astype(jnp.int32), table_p)

# --- scband reference (transcript-rebuilt; emitter-appended) ---
"""Pipeline reference for scband-glove-emb-30897994728198 (READ-ONLY COPY).

The authoritative reference and input builder live on the scoring server;
editing this copy changes nothing except your own understanding.
"""

import jax, jax.numpy as jnp
import numpy as np

NUM_EMBEDDINGS = 1000000
GLOVE_DIM = 64
BATCH = 16384
HIST = 50

def setup_inputs(seed: int = 0) -> dict:
    key = jax.random.key(seed)
    k1, k2 = jax.random.split(key)
    x = jax.random.randint(k1, (BATCH, HIST), 0, NUM_EMBEDDINGS, dtype=jnp.int64 if jax.config.jax_enable_x64 else jnp.int32)
    table = jax.random.normal(k2, (NUM_EMBEDDINGS, GLOVE_DIM), dtype=jnp.float32) * 0.02
    return {"x": x, "table": table}

def reference(x, table):
    # GloveEmb.forward: emb = self.glove(x)
    emb = jnp.take(table, x, axis=0)
    return emb

if __name__ == "__main__":
    import jax
    _d = setup_inputs()
    print(jax.jit(kernel)(*tuple(_d.values())))

</pallas_src>

<mosaic_0001>
#map = affine_map<(d0, d1) -> (0, 0)>
#map1 = affine_map<(d0, d1) -> (0, 0, 0)>
module attributes {stable_mosaic.version = 14 : i64} {
  func.func @k(%arg0: i32, %arg1: i32, %arg2: memref<16384x50xi32, #tpu.memory_space<hbm>>, %arg3: memref<1000000x128xf32, #tpu.memory_space<hbm>>, %arg4: memref<16384x50x64xf32, #tpu.memory_space<hbm>>, %arg5: memref<512x50xi32, #tpu.memory_space<vmem>>, %arg6: memref<50x128xf32, #tpu.memory_space<vmem>>, %arg7: memref<50x128xf32, #tpu.memory_space<vmem>>, %arg8: memref<50x128xf32, #tpu.memory_space<vmem>>, %arg9: memref<50x128xf32, #tpu.memory_space<vmem>>, %arg10: memref<50x64xf32, #tpu.memory_space<vmem>>, %arg11: memref<50x64xf32, #tpu.memory_space<vmem>>, %arg12: memref<!tpu.dma_semaphore, #tpu.memory_space<semaphore_mem>>, %arg13: memref<!tpu.dma_semaphore, #tpu.memory_space<semaphore_mem>>, %arg14: memref<!tpu.dma_semaphore, #tpu.memory_space<semaphore_mem>>, %arg15: memref<!tpu.dma_semaphore, #tpu.memory_space<semaphore_mem>>, %arg16: memref<!tpu.dma_semaphore, #tpu.memory_space<semaphore_mem>>, %arg17: memref<!tpu.dma_semaphore, #tpu.memory_space<semaphore_mem>>) attributes {dimension_semantics = [#tpu.dimension_semantics<core_parallel>, #tpu.dimension_semantics<subcore_parallel>], iteration_bounds = array<i64: 2, 16>, scalar_prefetch = 0 : i64, scratch_operands = 13 : i64, tpu.core_type = #tpu.core_type<sc_vector_subcore>, window_params = [{transform_indices = #map}, {transform_indices = #map}, {transform_indices = #map1}]} {
    %mul3A = arith.constant 2 : i32
    %mul3A_0 = arith.muli %arg1, %mul3A : i32
    %add3A = arith.addi %mul3A_0, %arg0 : i32
    %mul3A_1 = arith.constant 512 : i32
    %mul3A_2 = arith.muli %add3A, %mul3A_1 : i32
    "tpu.region"() ({
      %run_scoped3A = tpu.sem_alloc : memref<!tpu.dma_semaphore, #tpu.memory_space<semaphore_mem>>
      %dma_start3A_49 = arith.constant 0 : i32
      %dma_start3A_50 = tpu.memref_slice %arg2[%mul3A_2, %dma_start3A_49] : memref<16384x50xi32, #tpu.memory_space<hbm>> -> memref<512x50xi32, #tpu.memory_space<hbm>>
      %dma_start3A_51 = arith.constant 0 : i32
      %dma_start3A_52 = tpu.memref_slice %arg2[%mul3A_2, %dma_start3A_51] : memref<16384x50xi32, #tpu.memory_space<hbm>> -> memref<512x50xi32, #tpu.memory_space<hbm>>
      tpu.enqueue_dma source(%dma_start3A_52 : memref<512x50xi32, #tpu.memory_space<hbm>>) target(%arg5 : memref<512x50xi32, #tpu.memory_space<vmem>>) target_semaphore(%run_scoped3A : memref<!tpu.dma_semaphore, #tpu.memory_space<semaphore_mem>>)
      %dma_wait3A_53 = arith.constant 0 : i32
      %dma_wait3A_54 = tpu.memref_slice %arg2[%mul3A_2, %dma_wait3A_53] : memref<16384x50xi32, #tpu.memory_space<hbm>> -> memref<512x50xi32, #tpu.memory_space<hbm>>
      %dma_wait3A_55 = arith.constant 0 : i32
      %dma_wait3A_56 = tpu.memref_slice %arg2[%mul3A_2, %dma_wait3A_55] : memref<16384x50xi32, #tpu.memory_space<hbm>> -> memref<512x50xi32, #tpu.memory_space<hbm>>
      tpu.wait_dma2 semaphore(%run_scoped3A : memref<!tpu.dma_semaphore, #tpu.memory_space<semaphore_mem>>) src(%dma_wait3A_56 : memref<512x50xi32, #tpu.memory_space<hbm>>) dst(%arg5 : memref<512x50xi32, #tpu.memory_space<vmem>>)
      tpu.yield
    }) : () -> ()
    %dma_start3A = arith.constant 0 : i32
    %dma_start3A_3 = arith.constant 0 : i32
    %dma_start3A_4 = tpu.memref_slice %arg5[%dma_start3A, %dma_start3A_3] : memref<512x50xi32, #tpu.memory_space<vmem>> -> memref<1x50xi32, #tpu.memory_space<vmem>>
    %dma_start3A_5 = tpu.memref_squeeze %dma_start3A_4 : memref<1x50xi32, #tpu.memory_space<vmem>> -> memref<50xi32, #tpu.memory_space<vmem>>
    %dma_start3A_6 = arith.constant 0 : i32
    %dma_start3A_7 = arith.constant 0 : i32
    %dma_start3A_8 = tpu.memref_slice %arg3[%dma_start3A_6, %dma_start3A_7] : memref<1000000x128xf32, #tpu.memory_space<hbm>> -> memref<1000000x128xf32, #tpu.memory_space<hbm>>
    tpu.enqueue_indirect_dma source(%dma_start3A_8 : memref<1000000x128xf32, #tpu.memory_space<hbm>>) target(%arg6 : memref<50x128xf32, #tpu.memory_space<vmem>>) offsets(%dma_start3A_5 : memref<50xi32, #tpu.memory_space<vmem>>) semaphore(%arg12 : memref<!tpu.dma_semaphore, #tpu.memory_space<semaphore_mem>>)
    %dma_start3A_9 = arith.constant 1 : i32
    %dma_start3A_10 = arith.constant 0 : i32
    %dma_start3A_11 = tpu.memref_slice %arg5[%dma_start3A_9, %dma_start3A_10] : memref<512x50xi32, #tpu.memory_space<vmem>> -> memref<1x50xi32, #tpu.memory_space<vmem>>
    %dma_start3A_12 = tpu.memref_squeeze %dma_start3A_11 : memref<1x50xi32, #tpu.memory_space<vmem>> -> memref<50xi32, #tpu.memory_space<vmem>>
    %dma_start3A_13 = arith.constant 0 : i32
    %dma_start3A_14 = arith.constant 0 : i32
    %dma_start3A_15 = tpu.memref_slice %arg3[%dma_start3A_13, %dma_start3A_14] : memref<1000000x128xf32, #tpu.memory_space<hbm>> -> memref<1000000x128xf32, #tpu.memory_space<hbm>>
    tpu.enqueue_indirect_dma source(%dma_start3A_15 : memref<1000000x128xf32, #tpu.memory_space<hbm>>) target(%arg7 : memref<50x128xf32, #tpu.memory_space<vmem>>) offsets(%dma_start3A_12 : memref<50xi32, #tpu.memory_space<vmem>>) semaphore(%arg13 : memref<!tpu.dma_semaphore, #tpu.memory_space<semaphore_mem>>)
    %dma_start3A_16 = arith.constant 2 : i32
    %dma_start3A_17 = arith.constant 0 : i32
    %dma_start3A_18 = tpu.memref_slice %arg5[%dma_start3A_16, %dma_start3A_17] : memref<512x50xi32, #tpu.memory_space<vmem>> -> memref<1x50xi32, #tpu.memory_space<vmem>>
    %dma_start3A_19 = tpu.memref_squeeze %dma_start3A_18 : memref<1x50xi32, #tpu.memory_space<vmem>> -> memref<50xi32, #tpu.memory_space<vmem>>
    %dma_start3A_20 = arith.constant 0 : i32
    %dma_start3A_21 = arith.constant 0 : i32
    %dma_start3A_22 = tpu.memref_slice %arg3[%dma_start3A_20, %dma_start3A_21] : memref<1000000x128xf32, #tpu.memory_space<hbm>> -> memref<1000000x128xf32, #tpu.memory_space<hbm>>
    tpu.enqueue_indirect_dma source(%dma_start3A_22 : memref<1000000x128xf32, #tpu.memory_space<hbm>>) target(%arg8 : memref<50x128xf32, #tpu.memory_space<vmem>>) offsets(%dma_start3A_19 : memref<50xi32, #tpu.memory_space<vmem>>) semaphore(%arg14 : memref<!tpu.dma_semaphore, #tpu.memory_space<semaphore_mem>>)
    %dma_start3A_23 = arith.constant 3 : i32
    %dma_start3A_24 = arith.constant 0 : i32
    %dma_start3A_25 = tpu.memref_slice %arg5[%dma_start3A_23, %dma_start3A_24] : memref<512x50xi32, #tpu.memory_space<vmem>> -> memref<1x50xi32, #tpu.memory_space<vmem>>
    %dma_start3A_26 = tpu.memref_squeeze %dma_start3A_25 : memref<1x50xi32, #tpu.memory_space<vmem>> -> memref<50xi32, #tpu.memory_space<vmem>>
    %dma_start3A_27 = arith.constant 0 : i32
    %dma_start3A_28 = arith.constant 0 : i32
    %dma_start3A_29 = tpu.memref_slice %arg3[%dma_start3A_27, %dma_start3A_28] : memref<1000000x128xf32, #tpu.memory_space<hbm>> -> memref<1000000x128xf32, #tpu.memory_space<hbm>>
    tpu.enqueue_indirect_dma source(%dma_start3A_29 : memref<1000000x128xf32, #tpu.memory_space<hbm>>) target(%arg9 : memref<50x128xf32, #tpu.memory_space<vmem>>) offsets(%dma_start3A_26 : memref<50xi32, #tpu.memory_space<vmem>>) semaphore(%arg15 : memref<!tpu.dma_semaphore, #tpu.memory_space<semaphore_mem>>)
    %scan3A = arith.constant 0 : i32
    %scan3A_30 = arith.constant 128 : i32
    %scan3A_31 = arith.addi %scan3A, %scan3A_30 : i32
    %scan3A_32 = arith.constant 1 : i32
    scf.for %scan3A_49 = %scan3A to %scan3A_31 step %scan3A_32  : i32 {
      %mul3A_50 = arith.constant 4 : i32
      %mul3A_51 = arith.muli %scan3A_49, %mul3A_50 : i32
      %add3A_52 = arith.constant 0 : i32
      %add3A_53 = arith.addi %add3A_52, %mul3A_51 : i32
      %add3A_54 = arith.constant 0 : i32
      %add3A_55 = arith.addi %add3A_53, %add3A_54 : i32
      %dma_wait3A_56 = arith.constant 0 : i32
      %dma_wait3A_57 = tpu.memref_slice %arg5[%add3A_55, %dma_wait3A_56] : memref<512x50xi32, #tpu.memory_space<vmem>> -> memref<1x50xi32, #tpu.memory_space<vmem>>
      %dma_wait3A_58 = tpu.memref_squeeze %dma_wait3A_57 : memref<1x50xi32, #tpu.memory_space<vmem>> -> memref<50xi32, #tpu.memory_space<vmem>>
      %dma_wait3A_59 = arith.constant 0 : i32
      %dma_wait3A_60 = arith.constant 0 : i32
      %dma_wait3A_61 = tpu.memref_slice %arg3[%dma_wait3A_59, %dma_wait3A_60] : memref<1000000x128xf32, #tpu.memory_space<hbm>> -> memref<1000000x128xf32, #tpu.memory_space<hbm>>
      tpu.wait_indirect_dma semaphore(%arg12 : memref<!tpu.dma_semaphore, #tpu.memory_space<semaphore_mem>>) src(%dma_wait3A_61 : memref<1000000x128xf32, #tpu.memory_space<hbm>>) dst(%arg6 : memref<50x128xf32, #tpu.memory_space<vmem>>)
      %ge3A = arith.constant 2 : i32
      %ge3A_62 = arith.cmpi sge, %add3A_55, %ge3A : i32
      %convert_element_type3A = arith.extui %ge3A_62 : i1 to i32
      %cond3A = arith.constant 0 : i32
      %cond3A_63 = arith.cmpi ne, %convert_element_type3A, %cond3A : i32
      scf.if %cond3A_63 {
        %dma_wait3A_186 = arith.constant 0 : i32
        %dma_wait3A_187 = arith.constant 0 : i32
        %dma_wait3A_188 = tpu.memref_slice %arg4[%mul3A_2, %dma_wait3A_186, %dma_wait3A_187] : memref<16384x50x64xf32, #tpu.memory_space<hbm>> -> memref<1x50x64xf32, #tpu.memory_space<hbm>>
        %dma_wait3A_189 = tpu.memref_squeeze %dma_wait3A_188 : memref<1x50x64xf32, #tpu.memory_space<hbm>> -> memref<50x64xf32, #tpu.memory_space<hbm>>
        %dma_wait3A_190 = arith.constant 0 : i32
        %dma_wait3A_191 = arith.constant 0 : i32
        %dma_wait3A_192 = tpu.memref_slice %arg4[%mul3A_2, %dma_wait3A_190, %dma_wait3A_191] : memref<16384x50x64xf32, #tpu.memory_space<hbm>> -> memref<1x50x64xf32, #tpu.memory_space<hbm>>
        %dma_wait3A_193 = tpu.memref_squeeze %dma_wait3A_192 : memref<1x50x64xf32, #tpu.memory_space<hbm>> -> memref<50x64xf32, #tpu.memory_space<hbm>>
        tpu.wait_dma2 semaphore(%arg16 : memref<!tpu.dma_semaphore, #tpu.memory_space<semaphore_mem>>) src(%arg10 : memref<50x64xf32, #tpu.memory_space<vmem>>) dst(%dma_wait3A_193 : memref<50x64xf32, #tpu.memory_space<hbm>>)
      } else {
      }
      %scan3A_64 = arith.constant 0 : i32
      %scan3A_65 = arith.constant 50 : i32
      %scan3A_66 = arith.addi %scan3A_64, %scan3A_65 : i32
      %scan3A_67 = arith.constant 1 : i32
      scf.for %scan3A_186 = %scan3A_64 to %scan3A_66 step %scan3A_67  : i32 {
        %mul3A_187 = arith.constant 1 : i32
        %mul3A_188 = arith.muli %scan3A_186, %mul3A_187 : i32
        %add3A_189 = arith.constant 0 : i32
        %add3A_190 = arith.addi %add3A_189, %mul3A_188 : i32
        %get3A = arith.index_cast %add3A_190 : i32 to index
        %get3A_191 = arith.constant 0 : index
        %get3A_192 = tpu.vector_load %arg6[%get3A, %get3A_191] {strides = array<i32>} : memref<50x128xf32, #tpu.memory_space<vmem>>, vector<1x16xf32>,
        %get3A_193 = vector.shape_cast %get3A_192 : vector<1x16xf32> to vector<16xf32>
        %swap3A = arith.index_cast %add3A_190 : i32 to index
        %swap3A_194 = arith.constant 0 : index
        %swap3A_195 = tpu.vector_load %arg10[%swap3A, %swap3A_194] {strides = array<i32>} : memref<50x64xf32, #tpu.memory_space<vmem>>, vector<1x16xf32>,
        %swap3A_196 = vector.shape_cast %swap3A_195 : vector<1x16xf32> to vector<16xf32>
        %swap3A_197 = vector.shape_cast %get3A_193 : vector<16xf32> to vector<1x16xf32>
        tpu.vector_store %arg10[%swap3A, %swap3A_194], %swap3A_197 {strides = array<i32>} : memref<50x64xf32, #tpu.memory_space<vmem>>, vector<1x16xf32>,
        %get3A_198 = arith.index_cast %add3A_190 : i32 to index
        %get3A_199 = arith.constant 16 : index
        %get3A_200 = tpu.vector_load %arg6[%get3A_198, %get3A_199] {strides = array<i32>} : memref<50x128xf32, #tpu.memory_space<vmem>>, vector<1x16xf32>,
        %get3A_201 = vector.shape_cast %get3A_200 : vector<1x16xf32> to vector<16xf32>
        %swap3A_202 = arith.index_cast %add3A_190 : i32 to index
        %swap3A_203 = arith.constant 16 : index
        %swap3A_204 = tpu.vector_load %arg10[%swap3A_202, %swap3A_203] {strides = array<i32>} : memref<50x64xf32, #tpu.memory_space<vmem>>, vector<1x16xf32>,
        %swap3A_205 = vector.shape_cast %swap3A_204 : vector<1x16xf32> to vector<16xf32>
        %swap3A_206 = vector.shape_cast %get3A_201 : vector<16xf32> to vector<1x16xf32>
        tpu.vector_store %arg10[%swap3A_202, %swap3A_203], %swap3A_206 {strides = array<i32>} : memref<50x64xf32, #tpu.memory_space<vmem>>, vector<1x16xf32>,
        %get3A_207 = arith.index_cast %add3A_190 : i32 to index
        %get3A_208 = arith.constant 32 : index
        %get3A_209 = tpu.vector_load %arg6[%get3A_207, %get3A_208] {strides = array<i32>} : memref<50x128xf32, #tpu.memory_space<vmem>>, vector<1x16xf32>,
        %get3A_210 = vector.shape_cast %get3A_209 : vector<1x16xf32> to vector<16xf32>
        %swap3A_211 = arith.index_cast %add3A_190 : i32 to index
        %swap3A_212 = arith.constant 32 : index
        %swap3A_213 = tpu.vector_load %arg10[%swap3A_211, %swap3A_212] {strides = array<i32>} : memref<50x64xf32, #tpu.memory_space<vmem>>, vector<1x16xf32>,
        %swap3A_214 = vector.shape_cast %swap3A_213 : vector<1x16xf32> to vector<16xf32>
        %swap3A_215 = vector.shape_cast %get3A_210 : vector<16xf32> to vector<1x16xf32>
        tpu.vector_store %arg10[%swap3A_211, %swap3A_212], %swap3A_215 {strides = array<i32>} : memref<50x64xf32, #tpu.memory_space<vmem>>, vector<1x16xf32>,
        %get3A_216 = arith.index_cast %add3A_190 : i32 to index
        %get3A_217 = arith.constant 48 : index
        %get3A_218 = tpu.vector_load %arg6[%get3A_216, %get3A_217] {strides = array<i32>} : memref<50x128xf32, #tpu.memory_space<vmem>>, vector<1x16xf32>,
        %get3A_219 = vector.shape_cast %get3A_218 : vector<1x16xf32> to vector<16xf32>
        %swap3A_220 = arith.index_cast %add3A_190 : i32 to index
        %swap3A_221 = arith.constant 48 : index
        %swap3A_222 = tpu.vector_load %arg10[%swap3A_220, %swap3A_221] {strides = array<i32>} : memref<50x64xf32, #tpu.memory_space<vmem>>, vector<1x16xf32>,
        %swap3A_223 = vector.shape_cast %swap3A_222 : vector<1x16xf32> to vector<16xf32>
        %swap3A_224 = vector.shape_cast %get3A_219 : vector<16xf32> to vector<1x16xf32>
        tpu.vector_store %arg10[%swap3A_220, %swap3A_221], %swap3A_224 {strides = array<i32>} : memref<50x64xf32, #tpu.memory_space<vmem>>, vector<1x16xf32>,
      }
      %scan3A_68 = arith.constant 50 : i32
      %add3A_69 = arith.constant 4 : i32
      %add3A_70 = arith.addi %add3A_55, %add3A_69 : i32
      %lt3A = arith.constant 512 : i32
      %lt3A_71 = arith.cmpi slt, %add3A_70, %lt3A : i32
      %convert_element_type3A_72 = arith.extui %lt3A_71 : i1 to i32
      %cond3A_73 = arith.constant 0 : i32
      %cond3A_74 = arith.cmpi ne, %convert_element_type3A_72, %cond3A_73 : i32
      scf.if %cond3A_74 {
        %add3A_186 = arith.constant 4 : i32
        %add3A_187 = arith.addi %add3A_55, %add3A_186 : i32
        %dma_start3A_188 = arith.constant 0 : i32
        %dma_start3A_189 = tpu.memref_slice %arg5[%add3A_187, %dma_start3A_188] : memref<512x50xi32, #tpu.memory_space<vmem>> -> memref<1x50xi32, #tpu.memory_space<vmem>>
        %dma_start3A_190 = tpu.memref_squeeze %dma_start3A_189 : memref<1x50xi32, #tpu.memory_space<vmem>> -> memref<50xi32, #tpu.memory_space<vmem>>
        %dma_start3A_191 = arith.constant 0 : i32
        %dma_start3A_192 = arith.constant 0 : i32
        %dma_start3A_193 = tpu.memref_slice %arg3[%dma_start3A_191, %dma_start3A_192] : memref<1000000x128xf32, #tpu.memory_space<hbm>> -> memref<1000000x128xf32, #tpu.memory_space<hbm>>
        tpu.enqueue_indirect_dma source(%dma_start3A_193 : memref<1000000x128xf32, #tpu.memory_space<hbm>>) target(%arg6 : memref<50x128xf32, #tpu.memory_space<vmem>>) offsets(%dma_start3A_190 : memref<50xi32, #tpu.memory_space<vmem>>) semaphore(%arg12 : memref<!tpu.dma_semaphore, #tpu.memory_space<semaphore_mem>>)
      } else {
      }
      %add3A_75 = arith.addi %mul3A_2, %add3A_55 : i32
      %dma_start3A_76 = arith.constant 0 : i32
      %dma_start3A_77 = arith.constant 0 : i32
      %dma_start3A_78 = tpu.memref_slice %arg4[%add3A_75, %dma_start3A_76, %dma_start3A_77] : memref<16384x50x64xf32, #tpu.memory_space<hbm>> -> memref<1x50x64xf32, #tpu.memory_space<hbm>>
      %dma_start3A_79 = tpu.memref_squeeze %dma_start3A_78 : memref<1x50x64xf32, #tpu.memory_space<hbm>> -> memref<50x64xf32, #tpu.memory_space<hbm>>
      %dma_start3A_80 = arith.constant 0 : i32
      %dma_start3A_81 = arith.constant 0 : i32
      %dma_start3A_82 = tpu.memref_slice %arg4[%add3A_75, %dma_start3A_80, %dma_start3A_81] : memref<16384x50x64xf32, #tpu.memory_space<hbm>> -> memref<1x50x64xf32, #tpu.memory_space<hbm>>
      %dma_start3A_83 = tpu.memref_squeeze %dma_start3A_82 : memref<1x50x64xf32, #tpu.memory_space<hbm>> -> memref<50x64xf32, #tpu.memory_space<hbm>>
      tpu.enqueue_dma source(%arg10 : memref<50x64xf32, #tpu.memory_space<vmem>>) target(%dma_start3A_83 : memref<50x64xf32, #tpu.memory_space<hbm>>) target_semaphore(%arg16 : memref<!tpu.dma_semaphore, #tpu.memory_space<semaphore_mem>>)
      %add3A_84 = arith.constant 1 : i32
      %add3A_85 = arith.addi %add3A_53, %add3A_84 : i32
      %dma_wait3A_86 = arith.constant 0 : i32
      %dma_wait3A_87 = tpu.memref_slice %arg5[%add3A_85, %dma_wait3A_86] : memref<512x50xi32, #tpu.memory_space<vmem>> -> memref<1x50xi32, #tpu.memory_space<vmem>>
      %dma_wait3A_88 = tpu.memref_squeeze %dma_wait3A_87 : memref<1x50xi32, #tpu.memory_space<vmem>> -> memref<50xi32, #tpu.memory_space<vmem>>
      %dma_wait3A_89 = arith.constant 0 : i32
      %dma_wait3A_90 = arith.constant 0 : i32
      %dma_wait3A_91 = tpu.memref_slice %arg3[%dma_wait3A_89, %dma_wait3A_90] : memref<1000000x128xf32, #tpu.memory_space<hbm>> -> memref<1000000x128xf32, #tpu.memory_space<hbm>>
      tpu.wait_indirect_dma semaphore(%arg13 : memref<!tpu.dma_semaphore, #tpu.memory_space<semaphore_mem>>) src(%dma_wait3A_91 : memref<1000000x128xf32, #tpu.memory_space<hbm>>) dst(%arg7 : memref<50x128xf32, #tpu.memory_space<vmem>>)
      %ge3A_92 = arith.constant 2 : i32
      %ge3A_93 = arith.cmpi sge, %add3A_85, %ge3A_92 : i32
      %convert_element_type3A_94 = arith.extui %ge3A_93 : i1 to i32
      %cond3A_95 = arith.constant 0 : i32
      %cond3A_96 = arith.cmpi ne, %convert_element_type3A_94, %cond3A_95 : i32
      scf.if %cond3A_96 {
        %dma_wait3A_186 = arith.constant 0 : i32
        %dma_wait3A_187 = arith.constant 0 : i32
        %dma_wait3A_188 = tpu.memref_slice %arg4[%mul3A_2, %dma_wait3A_186, %dma_wait3A_187] : memref<16384x50x64xf32, #tpu.memory_space<hbm>> -> memref<1x50x64xf32, #tpu.memory_space<hbm>>
        %dma_wait3A_189 = tpu.memref_squeeze %dma_wait3A_188 : memref<1x50x64xf32, #tpu.memory_space<hbm>> -> memref<50x64xf32, #tpu.memory_space<hbm>>
        %dma_wait3A_190 = arith.constant 0 : i32
        %dma_wait3A_191 = arith.constant 0 : i32
        %dma_wait3A_192 = tpu.memref_slice %arg4[%mul3A_2, %dma_wait3A_190, %dma_wait3A_191] : memref<16384x50x64xf32, #tpu.memory_space<hbm>> -> memref<1x50x64xf32, #tpu.memory_space<hbm>>
        %dma_wait3A_193 = tpu.memref_squeeze %dma_wait3A_192 : memref<1x50x64xf32, #tpu.memory_space<hbm>> -> memref<50x64xf32, #tpu.memory_space<hbm>>
        tpu.wait_dma2 semaphore(%arg17 : memref<!tpu.dma_semaphore, #tpu.memory_space<semaphore_mem>>) src(%arg11 : memref<50x64xf32, #tpu.memory_space<vmem>>) dst(%dma_wait3A_193 : memref<50x64xf32, #tpu.memory_space<hbm>>)
      } else {
      }
      %scan3A_97 = arith.constant 0 : i32
      %scan3A_98 = arith.constant 50 : i32
      %scan3A_99 = arith.addi %scan3A_97, %scan3A_98 : i32
      %scan3A_100 = arith.constant 1 : i32
      scf.for %scan3A_186 = %scan3A_97 to %scan3A_99 step %scan3A_100  : i32 {
        %mul3A_187 = arith.constant 1 : i32
        %mul3A_188 = arith.muli %scan3A_186, %mul3A_187 : i32
        %add3A_189 = arith.constant 0 : i32
        %add3A_190 = arith.addi %add3A_189, %mul3A_188 : i32
        %get3A = arith.index_cast %add3A_190 : i32 to index
        %get3A_191 = arith.constant 0 : index
        %get3A_192 = tpu.vector_load %arg7[%get3A, %get3A_191] {strides = array<i32>} : memref<50x128xf32, #tpu.memory_space<vmem>>, vector<1x16xf32>,
        %get3A_193 = vector.shape_cast %get3A_192 : vector<1x16xf32> to vector<16xf32>
        %swap3A = arith.index_cast %add3A_190 : i32 to index
        %swap3A_194 = arith.constant 0 : index
        %swap3A_195 = tpu.vector_load %arg11[%swap3A, %swap3A_194] {strides = array<i32>} : memref<50x64xf32, #tpu.memory_space<vmem>>, vector<1x16xf32>,
        %swap3A_196 = vector.shape_cast %swap3A_195 : vector<1x16xf32> to vector<16xf32>
        %swap3A_197 = vector.shape_cast %get3A_193 : vector<16xf32> to vector<1x16xf32>
        tpu.vector_store %arg11[%swap3A, %swap3A_194], %swap3A_197 {strides = array<i32>} : memref<50x64xf32, #tpu.memory_space<vmem>>, vector<1x16xf32>,
        %get3A_198 = arith.index_cast %add3A_190 : i32 to index
        %get3A_199 = arith.constant 16 : index
        %get3A_200 = tpu.vector_load %arg7[%get3A_198, %get3A_199] {strides = array<i32>} : memref<50x128xf32, #tpu.memory_space<vmem>>, vector<1x16xf32>,
        %get3A_201 = vector.shape_cast %get3A_200 : vector<1x16xf32> to vector<16xf32>
        %swap3A_202 = arith.index_cast %add3A_190 : i32 to index
        %swap3A_203 = arith.constant 16 : index
        %swap3A_204 = tpu.vector_load %arg11[%swap3A_202, %swap3A_203] {strides = array<i32>} : memref<50x64xf32, #tpu.memory_space<vmem>>, vector<1x16xf32>,
        %swap3A_205 = vector.shape_cast %swap3A_204 : vector<1x16xf32> to vector<16xf32>
        %swap3A_206 = vector.shape_cast %get3A_201 : vector<16xf32> to vector<1x16xf32>
        tpu.vector_store %arg11[%swap3A_202, %swap3A_203], %swap3A_206 {strides = array<i32>} : memref<50x64xf32, #tpu.memory_space<vmem>>, vector<1x16xf32>,
        %get3A_207 = arith.index_cast %add3A_190 : i32 to index
        %get3A_208 = arith.constant 32 : index
        %get3A_209 = tpu.vector_load %arg7[%get3A_207, %get3A_208] {strides = array<i32>} : memref<50x128xf32, #tpu.memory_space<vmem>>, vector<1x16xf32>,
        %get3A_210 = vector.shape_cast %get3A_209 : vector<1x16xf32> to vector<16xf32>
        %swap3A_211 = arith.index_cast %add3A_190 : i32 to index
        %swap3A_212 = arith.constant 32 : index
        %swap3A_213 = tpu.vector_load %arg11[%swap3A_211, %swap3A_212] {strides = array<i32>} : memref<50x64xf32, #tpu.memory_space<vmem>>, vector<1x16xf32>,
        %swap3A_214 = vector.shape_cast %swap3A_213 : vector<1x16xf32> to vector<16xf32>
        %swap3A_215 = vector.shape_cast %get3A_210 : vector<16xf32> to vector<1x16xf32>
        tpu.vector_store %arg11[%swap3A_211, %swap3A_212], %swap3A_215 {strides = array<i32>} : memref<50x64xf32, #tpu.memory_space<vmem>>, vector<1x16xf32>,
        %get3A_216 = arith.index_cast %add3A_190 : i32 to index
        %get3A_217 = arith.constant 48 : index
        %get3A_218 = tpu.vector_load %arg7[%get3A_216, %get3A_217] {strides = array<i32>} : memref<50x128xf32, #tpu.memory_space<vmem>>, vector<1x16xf32>,
        %get3A_219 = vector.shape_cast %get3A_218 : vector<1x16xf32> to vector<16xf32>
        %swap3A_220 = arith.index_cast %add3A_190 : i32 to index
        %swap3A_221 = arith.constant 48 : index
        %swap3A_222 = tpu.vector_load %arg11[%swap3A_220, %swap3A_221] {strides = array<i32>} : memref<50x64xf32, #tpu.memory_space<vmem>>, vector<1x16xf32>,
        %swap3A_223 = vector.shape_cast %swap3A_222 : vector<1x16xf32> to vector<16xf32>
        %swap3A_224 = vector.shape_cast %get3A_219 : vector<16xf32> to vector<1x16xf32>
        tpu.vector_store %arg11[%swap3A_220, %swap3A_221], %swap3A_224 {strides = array<i32>} : memref<50x64xf32, #tpu.memory_space<vmem>>, vector<1x16xf32>,
      }
      %scan3A_101 = arith.constant 50 : i32
      %add3A_102 = arith.constant 4 : i32
      %add3A_103 = arith.addi %add3A_85, %add3A_102 : i32
      %lt3A_104 = arith.constant 512 : i32
      %lt3A_105 = arith.cmpi slt, %add3A_103, %lt3A_104 : i32
      %convert_element_type3A_106 = arith.extui %lt3A_105 : i1 to i32
      %cond3A_107 = arith.constant 0 : i32
      %cond3A_108 = arith.cmpi ne, %convert_element_type3A_106, %cond3A_107 : i32
      scf.if %cond3A_108 {
        %add3A_186 = arith.constant 4 : i32
        %add3A_187 = arith.addi %add3A_85, %add3A_186 : i32
        %dma_start3A_188 = arith.constant 0 : i32
        %dma_start3A_189 = tpu.memref_slice %arg5[%add3A_187, %dma_start3A_188] : memref<512x50xi32, #tpu.memory_space<vmem>> -> memref<1x50xi32, #tpu.memory_space<vmem>>
        %dma_start3A_190 = tpu.memref_squeeze %dma_start3A_189 : memref<1x50xi32, #tpu.memory_space<vmem>> -> memref<50xi32, #tpu.memory_space<vmem>>
        %dma_start3A_191 = arith.constant 0 : i32
        %dma_start3A_192 = arith.constant 0 : i32
        %dma_start3A_193 = tpu.memref_slice %arg3[%dma_start3A_191, %dma_start3A_192] : memref<1000000x128xf32, #tpu.memory_space<hbm>> -> memref<1000000x128xf32, #tpu.memory_space<hbm>>
        tpu.enqueue_indirect_dma source(%dma_start3A_193 : memref<1000000x128xf32, #tpu.memory_space<hbm>>) target(%arg7 : memref<50x128xf32, #tpu.memory_space<vmem>>) offsets(%dma_start3A_190 : memref<50xi32, #tpu.memory_space<vmem>>) semaphore(%arg13 : memref<!tpu.dma_semaphore, #tpu.memory_space<semaphore_mem>>)
      } else {
      }
      %add3A_109 = arith.addi %mul3A_2, %add3A_85 : i32
      %dma_start3A_110 = arith.constant 0 : i32
      %dma_start3A_111 = arith.constant 0 : i32
      %dma_start3A_112 = tpu.memref_slice %arg4[%add3A_109, %dma_start3A_110, %dma_start3A_111] : memref<16384x50x64xf32, #tpu.memory_space<hbm>> -> memref<1x50x64xf32, #tpu.memory_space<hbm>>
      %dma_start3A_113 = tpu.memref_squeeze %dma_start3A_112 : memref<1x50x64xf32, #tpu.memory_space<hbm>> -> memref<50x64xf32, #tpu.memory_space<hbm>>
      %dma_start3A_114 = arith.constant 0 : i32
      %dma_start3A_115 = arith.constant 0 : i32
      %dma_start3A_116 = tpu.memref_slice %arg4[%add3A_109, %dma_start3A_114, %dma_start3A_115] : memref<16384x50x64xf32, #tpu.memory_space<hbm>> -> memref<1x50x64xf32, #tpu.memory_space<hbm>>
      %dma_start3A_117 = tpu.memref_squeeze %dma_start3A_116 : memref<1x50x64xf32, #tpu.memory_space<hbm>> -> memref<50x64xf32, #tpu.memory_space<hbm>>
      tpu.enqueue_dma source(%arg11 : memref<50x64xf32, #tpu.memory_space<vmem>>) target(%dma_start3A_117 : memref<50x64xf32, #tpu.memory_space<hbm>>) target_semaphore(%arg17 : memref<!tpu.dma_semaphore, #tpu.memory_space<semaphore_mem>>)
      %add3A_118 = arith.constant 2 : i32
      %add3A_119 = arith.addi %add3A_53, %add3A_118 : i32
      %dma_wait3A_120 = arith.constant 0 : i32
      %dma_wait3A_121 = tpu.memref_slice %arg5[%add3A_119, %dma_wait3A_120] : memref<512x50xi32, #tpu.memory_space<vmem>> -> memref<1x50xi32, #tpu.memory_space<vmem>>
      %dma_wait3A_122 = tpu.memref_squeeze %dma_wait3A_121 : memref<1x50xi32, #tpu.memory_space<vmem>> -> memref<50xi32, #tpu.memory_space<vmem>>
      %dma_wait3A_123 = arith.constant 0 : i32
      %dma_wait3A_124 = arith.constant 0 : i32
      %dma_wait3A_125 = tpu.memref_slice %arg3[%dma_wait3A_123, %dma_wait3A_124] : memref<1000000x128xf32, #tpu.memory_space<hbm>> -> memref<1000000x128xf32, #tpu.memory_space<hbm>>
      tpu.wait_indirect_dma semaphore(%arg14 : memref<!tpu.dma_semaphore, #tpu.memory_space<semaphore_mem>>) src(%dma_wait3A_125 : memref<1000000x128xf32, #tpu.memory_space<hbm>>) dst(%arg8 : memref<50x128xf32, #tpu.memory_space<vmem>>)
      %ge3A_126 = arith.constant 2 : i32
      %ge3A_127 = arith.cmpi sge, %add3A_119, %ge3A_126 : i32
      %convert_element_type3A_128 = arith.extui %ge3A_127 : i1 to i32
      %cond3A_129 = arith.constant 0 : i32
      %cond3A_130 = arith.cmpi ne, %convert_element_type3A_128, %cond3A_129 : i32
      scf.if %cond3A_130 {
        %dma_wait3A_186 = arith.constant 0 : i32
        %dma_wait3A_187 = arith.constant 0 : i32
        %dma_wait3A_188 = tpu.memref_slice %arg4[%mul3A_2, %dma_wait3A_186, %dma_wait3A_187] : memref<16384x50x64xf32, #tpu.memory_space<hbm>> -> memref<1x50x64xf32, #tpu.memory_space<hbm>>
        %dma_wait3A_189 = tpu.memref_squeeze %dma_wait3A_188 : memref<1x50x64xf32, #tpu.memory_space<hbm>> -> memref<50x64xf32, #tpu.memory_space<hbm>>
        %dma_wait3A_190 = arith.constant 0 : i32
        %dma_wait3A_191 = arith.constant 0 : i32
        %dma_wait3A_192 = tpu.memref_slice %arg4[%mul3A_2, %dma_wait3A_190, %dma_wait3A_191] : memref<16384x50x64xf32, #tpu.memory_space<hbm>> -> memref<1x50x64xf32, #tpu.memory_space<hbm>>
        %dma_wait3A_193 = tpu.memref_squeeze %dma_wait3A_192 : memref<1x50x64xf32, #tpu.memory_space<hbm>> -> memref<50x64xf32, #tpu.memory_space<hbm>>
        tpu.wait_dma2 semaphore(%arg16 : memref<!tpu.dma_semaphore, #tpu.memory_space<semaphore_mem>>) src(%arg10 : memref<50x64xf32, #tpu.memory_space<vmem>>) dst(%dma_wait3A_193 : memref<50x64xf32, #tpu.memory_space<hbm>>)
      } else {
      }
      %scan3A_131 = arith.constant 0 : i32
      %scan3A_132 = arith.constant 50 : i32
      %scan3A_133 = arith.addi %scan3A_131, %scan3A_132 : i32
      %scan3A_134 = arith.constant 1 : i32
      scf.for %scan3A_186 = %scan3A_131 to %scan3A_133 step %scan3A_134  : i32 {
        %mul3A_187 = arith.constant 1 : i32
        %mul3A_188 = arith.muli %scan3A_186, %mul3A_187 : i32
        %add3A_189 = arith.constant 0 : i32
        %add3A_190 = arith.addi %add3A_189, %mul3A_188 : i32
        %get3A = arith.index_cast %add3A_190 : i32 to index
        %get3A_191 = arith.constant 0 : index
        %get3A_192 = tpu.vector_load %arg8[%get3A, %get3A_191] {strides = array<i32>} : memref<50x128xf32, #tpu.memory_space<vmem>>, vector<1x16xf32>,
        %get3A_193 = vector.shape_cast %get3A_192 : vector<1x16xf32> to vector<16xf32>
        %swap3A = arith.index_cast %add3A_190 : i32 to index
        %swap3A_194 = arith.constant 0 : index
        %swap3A_195 = tpu.vector_load %arg10[%swap3A, %swap3A_194] {strides = array<i32>} : memref<50x64xf32, #tpu.memory_space<vmem>>, vector<1x16xf32>,
        %swap3A_196 = vector.shape_cast %swap3A_195 : vector<1x16xf32> to vector<16xf32>
        %swap3A_197 = vector.shape_cast %get3A_193 : vector<16xf32> to vector<1x16xf32>
        tpu.vector_store %arg10[%swap3A, %swap3A_194], %swap3A_197 {strides = array<i32>} : memref<50x64xf32, #tpu.memory_space<vmem>>, vector<1x16xf32>,
        %get3A_198 = arith.index_cast %add3A_190 : i32 to index
        %get3A_199 = arith.constant 16 : index
        %get3A_200 = tpu.vector_load %arg8[%get3A_198, %get3A_199] {strides = array<i32>} : memref<50x128xf32, #tpu.memory_space<vmem>>, vector<1x16xf32>,
        %get3A_201 = vector.shape_cast %get3A_200 : vector<1x16xf32> to vector<16xf32>
        %swap3A_202 = arith.index_cast %add3A_190 : i32 to index
        %swap3A_203 = arith.constant 16 : index
        %swap3A_204 = tpu.vector_load %arg10[%swap3A_202, %swap3A_203] {strides = array<i32>} : memref<50x64xf32, #tpu.memory_space<vmem>>, vector<1x16xf32>,
        %swap3A_205 = vector.shape_cast %swap3A_204 : vector<1x16xf32> to vector<16xf32>
        %swap3A_206 = vector.shape_cast %get3A_201 : vector<16xf32> to vector<1x16xf32>
        tpu.vector_store %arg10[%swap3A_202, %swap3A_203], %swap3A_206 {strides = array<i32>} : memref<50x64xf32, #tpu.memory_space<vmem>>, vector<1x16xf32>,
        %get3A_207 = arith.index_cast %add3A_190 : i32 to index
        %get3A_208 = arith.constant 32 : index
        %get3A_209 = tpu.vector_load %arg8[%get3A_207, %get3A_208] {strides = array<i32>} : memref<50x128xf32, #tpu.memory_space<vmem>>, vector<1x16xf32>,
        %get3A_210 = vector.shape_cast %get3A_209 : vector<1x16xf32> to vector<16xf32>
        %swap3A_211 = arith.index_cast %add3A_190 : i32 to index
        %swap3A_212 = arith.constant 32 : index
        %swap3A_213 = tpu.vector_load %arg10[%swap3A_211, %swap3A_212] {strides = array<i32>} : memref<50x64xf32, #tpu.memory_space<vmem>>, vector<1x16xf32>,
        %swap3A_214 = vector.shape_cast %swap3A_213 : vector<1x16xf32> to vector<16xf32>
        %swap3A_215 = vector.shape_cast %get3A_210 : vector<16xf32> to vector<1x16xf32>
        tpu.vector_store %arg10[%swap3A_211, %swap3A_212], %swap3A_215 {strides = array<i32>} : memref<50x64xf32, #tpu.memory_space<vmem>>, vector<1x16xf32>,
        %get3A_216 = arith.index_cast %add3A_190 : i32 to index
        %get3A_217 = arith.constant 48 : index
        %get3A_218 = tpu.vector_load %arg8[%get3A_216, %get3A_217] {strides = array<i32>} : memref<50x128xf32, #tpu.memory_space<vmem>>, vector<1x16xf32>,
        %get3A_219 = vector.shape_cast %get3A_218 : vector<1x16xf32> to vector<16xf32>
        %swap3A_220 = arith.index_cast %add3A_190 : i32 to index
        %swap3A_221 = arith.constant 48 : index
        %swap3A_222 = tpu.vector_load %arg10[%swap3A_220, %swap3A_221] {strides = array<i32>} : memref<50x64xf32, #tpu.memory_space<vmem>>, vector<1x16xf32>,
        %swap3A_223 = vector.shape_cast %swap3A_222 : vector<1x16xf32> to vector<16xf32>
        %swap3A_224 = vector.shape_cast %get3A_219 : vector<16xf32> to vector<1x16xf32>
        tpu.vector_store %arg10[%swap3A_220, %swap3A_221], %swap3A_224 {strides = array<i32>} : memref<50x64xf32, #tpu.memory_space<vmem>>, vector<1x16xf32>,
      }
      %scan3A_135 = arith.constant 50 : i32
      %add3A_136 = arith.constant 4 : i32
      %add3A_137 = arith.addi %add3A_119, %add3A_136 : i32
      %lt3A_138 = arith.constant 512 : i32
      %lt3A_139 = arith.cmpi slt, %add3A_137, %lt3A_138 : i32
      %convert_element_type3A_140 = arith.extui %lt3A_139 : i1 to i32
      %cond3A_141 = arith.constant 0 : i32
      %cond3A_142 = arith.cmpi ne, %convert_element_type3A_140, %cond3A_141 : i32
      scf.if %cond3A_142 {
        %add3A_186 = arith.constant 4 : i32
        %add3A_187 = arith.addi %add3A_119, %add3A_186 : i32
        %dma_start3A_188 = arith.constant 0 : i32
        %dma_start3A_189 = tpu.memref_slice %arg5[%add3A_187, %dma_start3A_188] : memref<512x50xi32, #tpu.memory_space<vmem>> -> memref<1x50xi32, #tpu.memory_space<vmem>>
        %dma_start3A_190 = tpu.memref_squeeze %dma_start3A_189 : memref<1x50xi32, #tpu.memory_space<vmem>> -> memref<50xi32, #tpu.memory_space<vmem>>
        %dma_start3A_191 = arith.constant 0 : i32
        %dma_start3A_192 = arith.constant 0 : i32
        %dma_start3A_193 = tpu.memref_slice %arg3[%dma_start3A_191, %dma_start3A_192] : memref<1000000x128xf32, #tpu.memory_space<hbm>> -> memref<1000000x128xf32, #tpu.memory_space<hbm>>
        tpu.enqueue_indirect_dma source(%dma_start3A_193 : memref<1000000x128xf32, #tpu.memory_space<hbm>>) target(%arg8 : memref<50x128xf32, #tpu.memory_space<vmem>>) offsets(%dma_start3A_190 : memref<50xi32, #tpu.memory_space<vmem>>) semaphore(%arg14 : memref<!tpu.dma_semaphore, #tpu.memory_space<semaphore_mem>>)
      } else {
      }
      %add3A_143 = arith.addi %mul3A_2, %add3A_119 : i32
      %dma_start3A_144 = arith.constant 0 : i32
      %dma_start3A_145 = arith.constant 0 : i32
      %dma_start3A_146 = tpu.memref_slice %arg4[%add3A_143, %dma_start3A_144, %dma_start3A_145] : memref<16384x50x64xf32, #tpu.memory_space<hbm>> -> memref<1x50x64xf32, #tpu.memory_space<hbm>>
      %dma_start3A_147 = tpu.memref_squeeze %dma_start3A_146 : memref<1x50x64xf32, #tpu.memory_space<hbm>> -> memref<50x64xf32, #tpu.memory_space<hbm>>
      %dma_start3A_148 = arith.constant 0 : i32
      %dma_start3A_149 = arith.constant 0 : i32
      %dma_start3A_150 = tpu.memref_slice %arg4[%add3A_143, %dma_start3A_148, %dma_start3A_149] : memref<16384x50x64xf32, #tpu.memory_space<hbm>> -> memref<1x50x64xf32, #tpu.memory_space<hbm>>
      %dma_start3A_151 = tpu.memref_squeeze %dma_start3A_150 : memref<1x50x64xf32, #tpu.memory_space<hbm>> -> memref<50x64xf32, #tpu.memory_space<hbm>>
      tpu.enqueue_dma source(%arg10 : memref<50x64xf32, #tpu.memory_space<vmem>>) target(%dma_start3A_151 : memref<50x64xf32, #tpu.memory_space<hbm>>) target_semaphore(%arg16 : memref<!tpu.dma_semaphore, #tpu.memory_space<semaphore_mem>>)
      %add3A_152 = arith.constant 3 : i32
      %add3A_153 = arith.addi %add3A_53, %add3A_152 : i32
      %dma_wait3A_154 = arith.constant 0 : i32
      %dma_wait3A_155 = tpu.memref_slice %arg5[%add3A_153, %dma_wait3A_154] : memref<512x50xi32, #tpu.memory_space<vmem>> -> memref<1x50xi32, #tpu.memory_space<vmem>>
      %dma_wait3A_156 = tpu.memref_squeeze %dma_wait3A_155 : memref<1x50xi32, #tpu.memory_space<vmem>> -> memref<50xi32, #tpu.memory_space<vmem>>
      %dma_wait3A_157 = arith.constant 0 : i32
      %dma_wait3A_158 = arith.constant 0 : i32
      %dma_wait3A_159 = tpu.memref_slice %arg3[%dma_wait3A_157, %dma_wait3A_158] : memref<1000000x128xf32, #tpu.memory_space<hbm>> -> memref<1000000x128xf32, #tpu.memory_space<hbm>>
      tpu.wait_indirect_dma semaphore(%arg15 : memref<!tpu.dma_semaphore, #tpu.memory_space<semaphore_mem>>) src(%dma_wait3A_159 : memref<1000000x128xf32, #tpu.memory_space<hbm>>) dst(%arg9 : memref<50x128xf32, #tpu.memory_space<vmem>>)
      %ge3A_160 = arith.constant 2 : i32
      %ge3A_161 = arith.cmpi sge, %add3A_153, %ge3A_160 : i32
      %convert_element_type3A_162 = arith.extui %ge3A_161 : i1 to i32
      %cond3A_163 = arith.constant 0 : i32
      %cond3A_164 = arith.cmpi ne, %convert_element_type3A_162, %cond3A_163 : i32
      scf.if %cond3A_164 {
        %dma_wait3A_186 = arith.constant 0 : i32
        %dma_wait3A_187 = arith.constant 0 : i32
        %dma_wait3A_188 = tpu.memref_slice %arg4[%mul3A_2, %dma_wait3A_186, %dma_wait3A_187] : memref<16384x50x64xf32, #tpu.memory_space<hbm>> -> memref<1x50x64xf32, #tpu.memory_space<hbm>>
        %dma_wait3A_189 = tpu.memref_squeeze %dma_wait3A_188 : memref<1x50x64xf32, #tpu.memory_space<hbm>> -> memref<50x64xf32, #tpu.memory_space<hbm>>
        %dma_wait3A_190 = arith.constant 0 : i32
        %dma_wait3A_191 = arith.constant 0 : i32
        %dma_wait3A_192 = tpu.memref_slice %arg4[%mul3A_2, %dma_wait3A_190, %dma_wait3A_191] : memref<16384x50x64xf32, #tpu.memory_space<hbm>> -> memref<1x50x64xf32, #tpu.memory_space<hbm>>
        %dma_wait3A_193 = tpu.memref_squeeze %dma_wait3A_192 : memref<1x50x64xf32, #tpu.memory_space<hbm>> -> memref<50x64xf32, #tpu.memory_space<hbm>>
        tpu.wait_dma2 semaphore(%arg17 : memref<!tpu.dma_semaphore, #tpu.memory_space<semaphore_mem>>) src(%arg11 : memref<50x64xf32, #tpu.memory_space<vmem>>) dst(%dma_wait3A_193 : memref<50x64xf32, #tpu.memory_space<hbm>>)
      } else {
      }
      %scan3A_165 = arith.constant 0 : i32
      %scan3A_166 = arith.constant 50 : i32
      %scan3A_167 = arith.addi %scan3A_165, %scan3A_166 : i32
      %scan3A_168 = arith.constant 1 : i32
      scf.for %scan3A_186 = %scan3A_165 to %scan3A_167 step %scan3A_168  : i32 {
        %mul3A_187 = arith.constant 1 : i32
        %mul3A_188 = arith.muli %scan3A_186, %mul3A_187 : i32
        %add3A_189 = arith.constant 0 : i32
        %add3A_190 = arith.addi %add3A_189, %mul3A_188 : i32
        %get3A = arith.index_cast %add3A_190 : i32 to index
        %get3A_191 = arith.constant 0 : index
        %get3A_192 = tpu.vector_load %arg9[%get3A, %get3A_191] {strides = array<i32>} : memref<50x128xf32, #tpu.memory_space<vmem>>, vector<1x16xf32>,
        %get3A_193 = vector.shape_cast %get3A_192 : vector<1x16xf32> to vector<16xf32>
        %swap3A = arith.index_cast %add3A_190 : i32 to index
        %swap3A_194 = arith.constant 0 : index
        %swap3A_195 = tpu.vector_load %arg11[%swap3A, %swap3A_194] {strides = array<i32>} : memref<50x64xf32, #tpu.memory_space<vmem>>, vector<1x16xf32>,
        %swap3A_196 = vector.shape_cast %swap3A_195 : vector<1x16xf32> to vector<16xf32>
        %swap3A_197 = vector.shape_cast %get3A_193 : vector<16xf32> to vector<1x16xf32>
        tpu.vector_store %arg11[%swap3A, %swap3A_194], %swap3A_197 {strides = array<i32>} : memref<50x64xf32, #tpu.memory_space<vmem>>, vector<1x16xf32>,
        %get3A_198 = arith.index_cast %add3A_190 : i32 to index
        %get3A_199 = arith.constant 16 : index
        %get3A_200 = tpu.vector_load %arg9[%get3A_198, %get3A_199] {strides = array<i32>} : memref<50x128xf32, #tpu.memory_space<vmem>>, vector<1x16xf32>,
        %get3A_201 = vector.shape_cast %get3A_200 : vector<1x16xf32> to vector<16xf32>
        %swap3A_202 = arith.index_cast %add3A_190 : i32 to index
        %swap3A_203 = arith.constant 16 : index
        %swap3A_204 = tpu.vector_load %arg11[%swap3A_202, %swap3A_203] {strides = array<i32>} : memref<50x64xf32, #tpu.memory_space<vmem>>, vector<1x16xf32>,
        %swap3A_205 = vector.shape_cast %swap3A_204 : vector<1x16xf32> to vector<16xf32>
        %swap3A_206 = vector.shape_cast %get3A_201 : vector<16xf32> to vector<1x16xf32>
        tpu.vector_store %arg11[%swap3A_202, %swap3A_203], %swap3A_206 {strides = array<i32>} : memref<50x64xf32, #tpu.memory_space<vmem>>, vector<1x16xf32>,
        %get3A_207 = arith.index_cast %add3A_190 : i32 to index
        %get3A_208 = arith.constant 32 : index
        %get3A_209 = tpu.vector_load %arg9[%get3A_207, %get3A_208] {strides = array<i32>} : memref<50x128xf32, #tpu.memory_space<vmem>>, vector<1x16xf32>,
        %get3A_210 = vector.shape_cast %get3A_209 : vector<1x16xf32> to vector<16xf32>
        %swap3A_211 = arith.index_cast %add3A_190 : i32 to index
        %swap3A_212 = arith.constant 32 : index
        %swap3A_213 = tpu.vector_load %arg11[%swap3A_211, %swap3A_212] {strides = array<i32>} : memref<50x64xf32, #tpu.memory_space<vmem>>, vector<1x16xf32>,
        %swap3A_214 = vector.shape_cast %swap3A_213 : vector<1x16xf32> to vector<16xf32>
        %swap3A_215 = vector.shape_cast %get3A_210 : vector<16xf32> to vector<1x16xf32>
        tpu.vector_store %arg11[%swap3A_211, %swap3A_212], %swap3A_215 {strides = array<i32>} : memref<50x64xf32, #tpu.memory_space<vmem>>, vector<1x16xf32>,
        %get3A_216 = arith.index_cast %add3A_190 : i32 to index
        %get3A_217 = arith.constant 48 : index
        %get3A_218 = tpu.vector_load %arg9[%get3A_216, %get3A_217] {strides = array<i32>} : memref<50x128xf32, #tpu.memory_space<vmem>>, vector<1x16xf32>,
        %get3A_219 = vector.shape_cast %get3A_218 : vector<1x16xf32> to vector<16xf32>
        %swap3A_220 = arith.index_cast %add3A_190 : i32 to index
        %swap3A_221 = arith.constant 48 : index
        %swap3A_222 = tpu.vector_load %arg11[%swap3A_220, %swap3A_221] {strides = array<i32>} : memref<50x64xf32, #tpu.memory_space<vmem>>, vector<1x16xf32>,
        %swap3A_223 = vector.shape_cast %swap3A_222 : vector<1x16xf32> to vector<16xf32>
        %swap3A_224 = vector.shape_cast %get3A_219 : vector<16xf32> to vector<1x16xf32>
        tpu.vector_store %arg11[%swap3A_220, %swap3A_221], %swap3A_224 {strides = array<i32>} : memref<50x64xf32, #tpu.memory_space<vmem>>, vector<1x16xf32>,
      }
      %scan3A_169 = arith.constant 50 : i32
      %add3A_170 = arith.constant 4 : i32
      %add3A_171 = arith.addi %add3A_153, %add3A_170 : i32
      %lt3A_172 = arith.constant 512 : i32
      %lt3A_173 = arith.cmpi slt, %add3A_171, %lt3A_172 : i32
      %convert_element_type3A_174 = arith.extui %lt3A_173 : i1 to i32
      %cond3A_175 = arith.constant 0 : i32
      %cond3A_176 = arith.cmpi ne, %convert_element_type3A_174, %cond3A_175 : i32
      scf.if %cond3A_176 {
        %add3A_186 = arith.constant 4 : i32
        %add3A_187 = arith.addi %add3A_153, %add3A_186 : i32
        %dma_start3A_188 = arith.constant 0 : i32
        %dma_start3A_189 = tpu.memref_slice %arg5[%add3A_187, %dma_start3A_188] : memref<512x50xi32, #tpu.memory_space<vmem>> -> memref<1x50xi32, #tpu.memory_space<vmem>>
        %dma_start3A_190 = tpu.memref_squeeze %dma_start3A_189 : memref<1x50xi32, #tpu.memory_space<vmem>> -> memref<50xi32, #tpu.memory_space<vmem>>
        %dma_start3A_191 = arith.constant 0 : i32
        %dma_start3A_192 = arith.constant 0 : i32
        %dma_start3A_193 = tpu.memref_slice %arg3[%dma_start3A_191, %dma_start3A_192] : memref<1000000x128xf32, #tpu.memory_space<hbm>> -> memref<1000000x128xf32, #tpu.memory_space<hbm>>
        tpu.enqueue_indirect_dma source(%dma_start3A_193 : memref<1000000x128xf32, #tpu.memory_space<hbm>>) target(%arg9 : memref<50x128xf32, #tpu.memory_space<vmem>>) offsets(%dma_start3A_190 : memref<50xi32, #tpu.memory_space<vmem>>) semaphore(%arg15 : memref<!tpu.dma_semaphore, #tpu.memory_space<semaphore_mem>>)
      } else {
      }
      %add3A_177 = arith.addi %mul3A_2, %add3A_153 : i32
      %dma_start3A_178 = arith.constant 0 : i32
      %dma_start3A_179 = arith.constant 0 : i32
      %dma_start3A_180 = tpu.memref_slice %arg4[%add3A_177, %dma_start3A_178, %dma_start3A_179] : memref<16384x50x64xf32, #tpu.memory_space<hbm>> -> memref<1x50x64xf32, #tpu.memory_space<hbm>>
      %dma_start3A_181 = tpu.memref_squeeze %dma_start3A_180 : memref<1x50x64xf32, #tpu.memory_space<hbm>> -> memref<50x64xf32, #tpu.memory_space<hbm>>
      %dma_start3A_182 = arith.constant 0 : i32
      %dma_start3A_183 = arith.constant 0 : i32
      %dma_start3A_184 = tpu.memref_slice %arg4[%add3A_177, %dma_start3A_182, %dma_start3A_183] : memref<16384x50x64xf32, #tpu.memory_space<hbm>> -> memref<1x50x64xf32, #tpu.memory_space<hbm>>
      %dma_start3A_185 = tpu.memref_squeeze %dma_start3A_184 : memref<1x50x64xf32, #tpu.memory_space<hbm>> -> memref<50x64xf32, #tpu.memory_space<hbm>>
      tpu.enqueue_dma source(%arg11 : memref<50x64xf32, #tpu.memory_space<vmem>>) target(%dma_start3A_185 : memref<50x64xf32, #tpu.memory_space<hbm>>) target_semaphore(%arg17 : memref<!tpu.dma_semaphore, #tpu.memory_space<semaphore_mem>>)
    }
    %scan3A_33 = arith.constant 128 : i32
    %dma_wait3A = arith.constant 0 : i32
    %dma_wait3A_34 = arith.constant 0 : i32
    %dma_wait3A_35 = tpu.memref_slice %arg4[%mul3A_2, %dma_wait3A, %dma_wait3A_34] : memref<16384x50x64xf32, #tpu.memory_space<hbm>> -> memref<1x50x64xf32, #tpu.memory_space<hbm>>
    %dma_wait3A_36 = tpu.memref_squeeze %dma_wait3A_35 : memref<1x50x64xf32, #tpu.memory_space<hbm>> -> memref<50x64xf32, #tpu.memory_space<hbm>>
    %dma_wait3A_37 = arith.constant 0 : i32
    %dma_wait3A_38 = arith.constant 0 : i32
    %dma_wait3A_39 = tpu.memref_slice %arg4[%mul3A_2, %dma_wait3A_37, %dma_wait3A_38] : memref<16384x50x64xf32, #tpu.memory_space<hbm>> -> memref<1x50x64xf32, #tpu.memory_space<hbm>>
    %dma_wait3A_40 = tpu.memref_squeeze %dma_wait3A_39 : memref<1x50x64xf32, #tpu.memory_space<hbm>> -> memref<50x64xf32, #tpu.memory_space<hbm>>
    tpu.wait_dma2 semaphore(%arg16 : memref<!tpu.dma_semaphore, #tpu.memory_space<semaphore_mem>>) src(%arg10 : memref<50x64xf32, #tpu.memory_space<vmem>>) dst(%dma_wait3A_40 : memref<50x64xf32, #tpu.memory_space<hbm>>)
    %dma_wait3A_41 = arith.constant 0 : i32
    %dma_wait3A_42 = arith.constant 0 : i32
    %dma_wait3A_43 = tpu.memref_slice %arg4[%mul3A_2, %dma_wait3A_41, %dma_wait3A_42] : memref<16384x50x64xf32, #tpu.memory_space<hbm>> -> memref<1x50x64xf32, #tpu.memory_space<hbm>>
    %dma_wait3A_44 = tpu.memref_squeeze %dma_wait3A_43 : memref<1x50x64xf32, #tpu.memory_space<hbm>> -> memref<50x64xf32, #tpu.memory_space<hbm>>
    %dma_wait3A_45 = arith.constant 0 : i32
    %dma_wait3A_46 = arith.constant 0 : i32
    %dma_wait3A_47 = tpu.memref_slice %arg4[%mul3A_2, %dma_wait3A_45, %dma_wait3A_46] : memref<16384x50x64xf32, #tpu.memory_space<hbm>> -> memref<1x50x64xf32, #tpu.memory_space<hbm>>
    %dma_wait3A_48 = tpu.memref_squeeze %dma_wait3A_47 : memref<1x50x64xf32, #tpu.memory_space<hbm>> -> memref<50x64xf32, #tpu.memory_space<hbm>>
    tpu.wait_dma2 semaphore(%arg17 : memref<!tpu.dma_semaphore, #tpu.memory_space<semaphore_mem>>) src(%arg11 : memref<50x64xf32, #tpu.memory_space<vmem>>) dst(%dma_wait3A_48 : memref<50x64xf32, #tpu.memory_space<hbm>>)
    return
  }
}

</mosaic_0001>

<sc_bundles>
// kernel: kernel.3.cloned.1.call-start
scs
__scs_entry_jumppad:
0x0: {  	(pc) =	sbr.rel $0x88, $3  }
0x1: {  	(tag) =	ssettag $0x0;
	lr =	simm.s32 $0x1  }
0x2: {  	[smem:$0x3F9F] =	sst lr;
	_ =	strace $0xD0000000  }
0x3: {  	_ = 	snop  }
0x4: {  	_ = 	snop  }
0x5: {  	_ = 	snop  }
0x6: {  	_ = 	snop  }
0x7: {  	_ = 	snop  }
__scs_overlays_trampoline_lowered:
0x8: {  	[smem:$0x3FAE] =	sst s0  }
0x9: {  	[smem:$0x3FAF] =	sst s1  }
0xa: {  	[smem:$0x3FB0] =	sst s2  }
0xb: {  	[smem:$0x3FB1] =	sst s3  }
0xc: {  	[smem:$0x3FB2] =	sst s4  }
0xd: {  	[smem:$0x3FB3] =	sst s5  }
0xe: {  	[smem:$0x3FB4] =	sst s6  }
0xf: {  	[smem:$0x3FB5] =	sst s7  }
0x10: {  	[smem:$0x3FB6] =	sst s8  }
0x11: {  	[smem:$0x3FB7] =	sst s9;
	s0 =	simm.s32 @!p0 $0x0  }
0x12: {  	s1 =	sld [smem:$0x3F9D];
	s0 =	simm.s32 @p0 $0x1  }
0x13: {  	[smem:$0x3FB8] =	sst s0;
	s0 =	simm.s32 @!p1 $0x0  }
0x14: {  	s2 =	sld [smem:$0x3F9C];
	s0 =	simm.s32 @p1 $0x1  }
0x15: {  	[smem:$0x3FB9] =	sst s0;
	s0 =	simm.s32 @!p2 $0x0  }
0x16: {  	s3 =	sld [smem:$0x3FDB];
	s0 =	simm.s32 @p2 $0x1  }
0x17: {  	s4 =	simm.s32 $0x1BF5;
	[smem:$0x3FBB] =	sst s0  }
0x18: {  	s0 =	sld [smem:$0x3F9E];
	_ =	swait.ge [sflag:s4], $0x0  }
0x19: {  	s7 =	sld [smem:$0x3F9F]  }
0x1a: {  	s8 =	sadd.s32 $0xFFFFE003, lr  }
0x1b: {  	s9 =	sadd.s32 $0xFFFFFEF7, lr;
	s5 =	simm.s32 $0xFFFFFFFF;
	p2 =	slt.u32 s8, $0xFFFFF086  }
0x1c: {  	p1 =	slt.u32 s9, $0xF7A;
	s5 =	simm.s32 @!p2 $0x0  }
0x1d: {  	s5 =	simm.s32 @p1 $0x1;
	p0 =	seq.s32 s7, s2  }
0x1e: {  	s7 =	smul.u32 @!p0 $0xF7A, s2;
	p2 =	seq.s32 @!p0 s5, $0x0  }
0x1f: {  	s9 =	smul.u32 $0xF7A, s1;
	s8 =	simm.s32 @!p0 $0x1BF5;
	p2 =	por !p2, p0  }
0x20: {  	[sflag:s8] =	ssyncset.s32 @!p0 $0xFFFFF086;
	s6 =	sadd.s32 @!p0 s3, s7;
	s7 =	simm.s32 @!p0 $0x108  }
0x21: {  	s3 =	sadd.s32 s3, s9;
	s6 =	sadd.s32 @!p0 $0x88, s6;
	s7 =	simm.s32 @p2 $0x1082  }
0x22: {  	[simem:s7], [sflag:s8] =	dma.local @!p0 [hbm:s6], $0xF7A  }
0x23: {  	s9 =	sor.u32 $0xD0000000, s2;
	s6 =	simm.s32 $0x108;
	_ =	swait.ge @!p0 [sflag:s8], $0x0  }
0x24: {  	s3 =	sadd.s32 $0x88, s3;
	s6 =	simm.s32 @!p1 $0x1082;
	[sflag:s4] =	ssyncset.s32 $0xFFFFF086  }
0x25: {  	[simem:s6], [sflag:s4] =	dma.local [hbm:s3], $0xF7A  }
0x26: {  	[smem:$0x3F9F] =	sst s1;
	(tag) =	ssettag s2;
	_ =	strace s9  }
0x27: {  	s1 =	sld [smem:$0x3FAF]  }
0x28: {  	s2 =	sld [smem:$0x3FB0]  }
0x29: {  	s4 =	sld [smem:$0x3FB2]  }
0x2a: {  	p0 =	seq.s32 s5, $0x0;
	s5 =	sld [smem:$0x3FB3]  }
0x2b: {  	s6 =	sld [smem:$0x3FB4]  }
0x2c: {  	s7 =	sld [smem:$0x3FB5]  }
0x2d: {  	s3 =	simm.s32 $0x108;
	s8 =	sld [smem:$0x3FB6]  }
0x2e: {  	s3 =	simm.s32 @!p0 $0x1082;
	s9 =	sld [smem:$0x3FB7]  }
0x2f: {  	lr =	sadd.s32 s0, s3;
	s0 =	sld [smem:$0x3FAE]  }
0x30: {  	s3 =	sld [smem:$0x3FB1]  }
0x31: {  	[smem:$0x3FBA] =	sst s10  }
0x32: {  	s10 =	sld [smem:$0x3FB8];
	_ =	sdelay $0x3  }
0x33: {  	p0 =	seq.s32 s10, $0x1;
	s10 =	sld [smem:$0x3FBA];
	_ =	sdelay $0x3  }
0x34: {  	[smem:$0x3FBA] =	sst s10  }
0x35: {  	s10 =	sld [smem:$0x3FB9];
	_ =	sdelay $0x3  }
0x36: {  	p1 =	seq.s32 s10, $0x1;
	s10 =	sld [smem:$0x3FBA];
	_ =	sdelay $0x3  }
0x37: {  	[smem:$0x3FBA] =	sst s10  }
0x38: {  	s10 =	sld [smem:$0x3FBB]  }
0x39: {  	_ = 	snop;
	(pc) =	sbr.ind lr, $3  }
0x3a: {  	_ = 	snop  }
0x3b: {  	_ = 	snop  }
0x3c: {  	p2 =	seq.s32 s10, $0x1;
	s10 =	sld [smem:$0x3FBA]  }
0x3d: {  	_ =	shalt  }
0x3e: {  	_ =	shalt  }
0x3f: {  	_ =	shalt  }
0x40: {  	_ =	shalt  }
0x41: {  	_ =	shalt  }
0x42: {  	_ =	shalt  }
0x43: {  	_ =	shalt  }
0x44: {  	_ =	shalt  }
0x45: {  	_ =	shalt  }
0x46: {  	_ =	shalt  }
0x47: {  	_ =	shalt  }
0x48: {  	_ =	shalt  }
0x49: {  	_ =	shalt  }
0x4a: {  	_ =	shalt  }
0x4b: {  	_ =	shalt  }
0x4c: {  	_ =	shalt  }
0x4d: {  	_ =	shalt  }
0x4e: {  	_ =	shalt  }
0x4f: {  	_ =	shalt  }
0x50: {  	_ =	shalt  }
0x51: {  	_ =	shalt  }
0x52: {  	_ =	shalt  }
0x53: {  	_ =	shalt  }
0x54: {  	_ =	shalt  }
0x55: {  	_ =	shalt  }
0x56: {  	_ =	shalt  }
0x57: {  	_ =	shalt  }
0x58: {  	_ =	shalt  }
0x59: {  	_ =	shalt  }
0x5a: {  	_ =	shalt  }
0x5b: {  	_ =	shalt  }
0x5c: {  	_ =	shalt  }
0x5d: {  	_ =	shalt  }
0x5e: {  	_ =	shalt  }
0x5f: {  	_ =	shalt  }
0x60: {  	_ =	shalt  }
0x61: {  	_ =	shalt  }
0x62: {  	_ =	shalt  }
0x63: {  	_ =	shalt  }
0x64: {  	_ =	shalt  }
0x65: {  	_ =	shalt  }
0x66: {  	_ =	shalt  }
0x67: {  	_ =	shalt  }
0x68: {  	_ =	shalt  }
0x69: {  	_ =	shalt  }
0x6a: {  	_ =	shalt  }
0x6b: {  	_ =	shalt  }
0x6c: {  	_ =	shalt  }
0x6d: {  	_ =	shalt  }
0x6e: {  	_ =	shalt  }
0x6f: {  	_ =	shalt  }
0x70: {  	_ =	shalt  }
0x71: {  	_ =	shalt  }
0x72: {  	_ =	shalt  }
0x73: {  	_ =	shalt  }
0x74: {  	_ =	shalt  }
0x75: {  	_ =	shalt  }
0x76: {  	_ =	shalt  }
0x77: {  	_ =	shalt  }
0x78: {  	_ =	shalt  }
0x79: {  	_ =	shalt  }
0x7a: {  	_ =	shalt  }
0x7b: {  	_ =	shalt  }
0x7c: {  	_ =	shalt  }
0x7d: {  	_ =	shalt  }
0x7e: {  	_ =	shalt  }
0x7f: {  	_ =	shalt  }
0x80: {  	_ =	shalt  }
0x81: {  	_ =	shalt  }
0x82: {  	_ =	shalt  }
0x83: {  	_ =	shalt  }
0x84: {  	_ =	shalt  }
0x85: {  	_ =	shalt  }
0x86: {  	_ =	shalt  }
0x87: {  	_ =	shalt  }
.Lfunc_end0:
.L_simem_size_0:
called_computation_lowered:
.L_overlay_start_0:
0x88: {  	s2 =	sld [smem:$0x3FD9]  }
0x89: {  	s3 =	sld [smem:$0x3FFE];
	_ =	sdelay $0x1  }
0x8a: {  	s1 =	srdreg.scid  }
0x8b: {  	s0 =	sand.u32 $0x1, s1  }
0x8c: {  	s17 =	sshll.u32 s0, $0xA;
	s2 =	sadd.s32 s3, s2  }
0x8d: {  	s2 =	sadd.s32 s2, s17  }
0x8e: {  	[smem:$0x3FC6] =	sst s2  }
0x8f: {  	_ = 	snop  }
0x90: {  	s2 =	sld [smem:$0x3FD0];
	(tm) =	ssettm $0x1  }
0x91: {  	s18 =	sld [smem:$0x3FFB];
	_ =	sdelay $0x3  }
0x92: {  	_ =	strace s18  }
0x93: {  	s3 =	sld [smem:$0x3FFC];
	_ =	sdelay $0x3  }
0x94: {  	_ =	strace s3  }
0x95: {  	s3 =	sld [smem:$0x3FFD];
	_ =	sdelay $0x3  }
0x96: {  	_ =	strace s3  }
0x97: {  	_ =	strace $0x8FFFFFFF  }
0x98: {  	s19 =	sld [smem:$0x3FDB];
	_ =	sdelay $0x1  }
0x99: {  	s4 =	simm.s32 $_scs_section_size  }
0x9a: {  	s5 =	simm.s32 $_size__tile_overlayer_lowered;
	s6 =	simm.s32 $_tile_overlayer_lowered  }
0x9b: {  	s22 =	simm.s32 $0x1BFF;
	s21 =	sshll.u32 s6, $0x1;
	s3 =	sadd.s32 s4, s19  }
0x9c: {  	s7 =	simm.s32 $0x0;
	s20 =	sshll.u32 s5, $0x1;
	s5 =	sadd.s32 s21, s3  }
0x9d: {  	[timem:s7], [sflag:s22] =	dma.local [hbm:s5], s20  }
0x9e: {  	_ =	swait.ge [sflag:s22], s20  }
0x9f: {  	s4 =	ssub.s32 $0x0, s20;
	[sflag:s22] =	ssyncset.done $0x0  }
0xa0: {  	[sflag:s22] =	ssyncadd.s32 s4;
	_ =	sdelay $0x1  }
0xa1: {  	s23 =	simm.s32 $0x1B8B  }
0xa2: {  	_ =	swait.ge [sflag:s23], $0x1  }
0xa3: {  	[sflag:s23] =	ssyncset.done $0x0  }
0xa4: {  	s25 =	simm.s32 $0x1B8E;
	s24 =	sld [smem:$0x3FFE];
	[sflag:s23] =	ssyncadd.s32 $0xFFFFFFFF  }
0xa5: {  	s26 =	simm.s32 $execute0_lowered;
	[smem:$0x3FD2] =	sst s25  }
0xa6: {  	s5 =	sshll.u32 s26, $0x1;
	_ =	strace $0x80000046;
	[dreg:$0x1] =	wrdreg $0xFFFFFFFF  }
0xa7: {  	s28 =	simm.s32 $_size_execute0_lowered;
	s3 =	sadd.s32 s3, s5;
	[dreg:$0x0] =	wrdreg $0x0  }
0xa8: {  	s5 =	sshll.u32 s28, $0x1;
	[dreg:$0x2] =	wrdreg s3  }
0xa9: {  	[dreg:$0x3] =	wrdreg s5  }
0xaa: {  	[dreg:$0x4] =	wrdreg $0xC0  }
0xab: {  	_ =	task [dreg:s7], $0x5FFFF  }
0xac: {  	[dreg:$0x1] =	wrdreg $0xFFFFFFFF  }
0xad: {  	[dreg:$0x0] =	wrdreg $0x60  }
0xae: {  	[dreg:$0x2] =	wrdreg s2  }
0xaf: {  	[dreg:$0x3] =	wrdreg s24  }
0xb0: {  	[dreg:$0x4] =	wrdreg $0x9  }
0xb1: {  	_ =	task.clear_ibuf [dreg:s7], $0x5FFFF;
	_ =	strace $0x90000046  }
0xb2: {  	s29 =	simm.s32 $0x9;
	_ =	strace $0x80000048  }
0xb3: {  	_ =	swait.ge [sflag:s29], $0x1  }
0xb4: {  	[sflag:s29] =	ssyncadd.s32 $0xFFFFFFFF  }
0xb5: {  	_ =	strace $0x90000048  }
0xb6: {  	_ =	sfence  }
0xb7: {  	s30 =	sld [smem:$0x0];
	_ =	sdelay $0x2  }
0xb8: {  	s31 =	sshll.u32 s1, $0xD;
	s1 =	sshrl.u32 s1, $0x2  }
0xb9: {  	s3 =	sand.u32 $0x4000, s31;
	s1 =	sadd.s32 s1, s30  }
0xba: {  	s0 =	sor.u32 s3, s0;
	s1 =	sshll.u32 s1, $0x11  }
0xbb: {  	s0 =	sor.u32 s1, s0  }
0xbc: {  	s0 =	sadd.s32 $0x8F2B, s0  }
0xbd: {  	[sflag:s0] =	ssyncadd.remote.s32 $0x1  }
0xbe: {  	_ =	sfence.sel $0xFFFF  }
0xbf: {  	[dreg:$0x0] =	wrdreg $0xFFFFFFFF;
	(pc) =	sbr.abs _section_cstart, $3  }
0xc0: {  	[dreg:$0x1] =	wrdreg $0xFFFFFFFF  }
0xc1: {  	_ =	task.clear_ibuf [dreg:s7], $0x2FFFF;
	_ =	strace $0x9FFFFFFF  }
0xc2: {  	(tm) =	ssettm $0x7FFFFFFF  }
0xc3: {  	_ =	shalt  }
tec
execute0_lowered:
.L_overlay_start_1:
0x0: {  	(tag) =	ssettag $0x1  }
0x1: {  	s0 =	rddreg [dreg:$0x0]  }
0x2: {  	s5 =	rddreg [dreg:$0x1];
	s2 =	simm.s32 $0x0;
	s3 =	srdreg.scid  }
0x3: {  	s1 =	stileid.u32;
	s8 =	simm.s32 $0x7;
	s9 =	simm.s32 $0x32  }
0x4: {  	s10 =	simm.s32 $0x10000;
	s11 =	simm.s32 $0x80;
	s12 =	simm.s32 $0x11C00  }
0x5: {  	s13 =	simm.s32 $0x100;
	s14 =	simm.s32 $0x13800;
	s15 =	simm.s32 $0x180  }
0x6: {  	s16 =	simm.s32 $0x15400;
	s17 =	simm.s32 $0x1;
	s18 =	simm.s32 $0x17000  }
0x7: {  	s19 =	simm.s32 $0x2;
	s20 =	simm.s32 $0x18C00;
	s21 =	simm.s32 $0x3  }
0x8: {  	s22 =	simm.s32 $0x5;
	s23 =	simm.s32 $0x4;
	s24 =	simm.s32 $0x6  }
0x9: {  	s25 =	simm.s32 $0x0;
	[smem:$0x7FF] =	sst s2;
	s3 =	sand.u32 $0x1, s3  }
0xa: {  	s4 =	sshll.u32 s1, $0xA;
	s6 =	ssub.s32 $0x2, s3;
	s3 =	sshll.u32 s3, $0x9  }
0xb: {  	_ =	strace $0x80000047;
	s7 =	sshrl.u32 s6, $0x1;
	s3 =	sor.u32 s3, s4  }
0xc: {  	s4 =	sadd.s32 $0xF42A00, s5;
	s7 =	ssub.s32 s6, s7;
	s31 =	sshll.u32 s3, $0x4  }
0xd: {  	s5 =	sadd.s32 $0x600, s5;
	s6 =	sadd.s32 s0, s31;
	s7 =	smax.u32 s7, $0x1  }
.LBB2_1:
0xe: {  	[tilespmem:s2], [sflag:$0x7] =	stream.linear.gather [hbm4b:s6+s2], $0x10000, $0x38;
	[tilespmem:$0x1A800] =	vst v63  }
0xf: {  	_ =	swait.ge [sflag:s8], $0x10000  }
0x10: {  	[sflag:s8] =	ssyncset.done $0x0  }
0x11: {  	[sflag:s8] =	ssyncadd.s32 $0xFFFF0000  }
0x12: {  	[tilespmem:s10], [sflag:$0x1] =	stream.indirect.gather [hbm4b:s4+s9], $0x80, s2, s9, $0xb8;
	[tilespmem:$0x1A800] =	vst v63  }
0x13: {  	_ = 	snop  }
0x14: {  	[tilespmem:s12], [sflag:$0x2] =	stream.indirect.gather [hbm4b:s4+s9], $0x80, s11, s9, $0xb8;
	[tilespmem:$0x1A800] =	vst v63  }
0x15: {  	_ = 	snop  }
0x16: {  	[tilespmem:s14], [sflag:$0x3] =	stream.indirect.gather [hbm4b:s4+s9], $0x80, s13, s9, $0xb8;
	[tilespmem:$0x1A800] =	vst v63  }
0x17: {  	s26 =	simm.s32 $0x0  }
0x18: {  	[tilespmem:s16], [sflag:$0x4] =	stream.indirect.gather [hbm4b:s4+s9], $0x80, s15, s9, $0xb8;
	[tilespmem:$0x1A800] =	vst v63  }
.LBB2_2:
0x19: {  	_ =	swait.ge [sflag:s17], $0x1900  }
0x1a: {  	p1 =	seq.s32 s26, $0x0;
	[sflag:s17] =	ssyncset.done $0x0  }
0x1b: {  	s0 =	simm.s32 @!p1 $0x5;
	[sflag:s17] =	ssyncadd.s32 $0xFFFFE700  }
0x1c: {  	_ =	swait.ge @!p1 [sflag:s0], $0x1900  }
0x1d: {  	[sflag:s0] =	ssyncset.done @!p1 $0x0  }
0x1e: {  	s30 =	simm.s32 $0x0;
	[sflag:s0] =	ssyncadd.s32 @!p1 $0xFFFFE700  }
0x1f: {  	v3 =	vld [tilespmem:s30+$0x10030]  }
0x20: {  	v1 =	vld [tilespmem:s30+$0x10000]  }
0x21: {  	v0 =	vld [tilespmem:s30+$0x10010]  }
0x22: {  	s28 =	sshll.u32 s26, $0x2;
	s29 =	simm.s32 $0x200;
	v2 =	vld [tilespmem:s30+$0x10020]  }
.LBB2_3:
0x23: {  	p0 =	sne.s32 s29, $0x6200  }
.Ltmp0:
0x24: {  	s0 =	sshra.s32 s29, $0x2;
	s29 =	sadd.s32 $0x200, s29;
	[tilespmem:s30+$0x17030] =	vst v3;
	(pc) =	sbr.rel @p0 .LBB2_3-.Ltmp0, $4  }
0x25: {  	v3 =	vld [tilespmem:s0+$0x10030];
	[tilespmem:s30+$0x17000] =	vst v1  }
0x26: {  	v1 =	vld [tilespmem:s0+$0x10000];
	[tilespmem:s30+$0x17010] =	vst v0  }
0x27: {  	v0 =	vld [tilespmem:s0+$0x10010];
	[tilespmem:s30+$0x17020] =	vst v2;
	s30 =	smov.u32 s0  }
0x28: {  	v2 =	vld [tilespmem:s30+$0x10020]  }
0x29: {  	_ = 	snop  }
0x2a: {  	p0 =	seq.s32 s26, $0x7F;
	[tilespmem:s30+$0x17030] =	vst v3  }
0x2b: {  	s0 =	sshll.u32 @!p0 s26, $0x9;
	[tilespmem:s30+$0x17000] =	vst v1  }
0x2c: {  	s31 =	sadd.s32 s3, s28;
	s1 =	simm.s32 @!p0 $0x10000;
	s29 =	sand.u32 @!p0 $0x3FFFFE00, s0;
	[tilespmem:s30+$0x17010] =	vst v0  }
0x2d: {  	s31 =	smul.u32 $0x380, s31;
	s0 =	sadd.s32 @!p0 $0x200, s29;
	[tilespmem:s30+$0x17020] =	vst v2;
	s30 =	simm.s32 @!p0 $0x32  }
0x2e: {  	[tilespmem:s1], [sflag:$0x1] =	stream.indirect.gather @!p0 [hbm4b:s4+s30], $0x80, s0, s30, $0xb8;
	[tilespmem:$0x1A800] =	vst v63  }
0x2f: {  	s1 =	sadd.s32 s5, s31  }
0x30: {  	[hbm4b:s1+s2] =	stream.linear.scatter [tilespmem:s18], [sflag:$0x5], $0x1900, $0x38;
	[tilespmem:$0x1A800] =	vst v63  }
0x31: {  	_ =	swait.ge [sflag:s19], $0x1900  }
0x32: {  	[sflag:s19] =	ssyncset.done $0x0  }
0x33: {  	s0 =	simm.s32 @!p1 $0x6;
	[sflag:s19] =	ssyncadd.s32 $0xFFFFE700  }
0x34: {  	_ =	swait.ge @!p1 [sflag:s0], $0x1900  }
0x35: {  	[sflag:s0] =	ssyncset.done @!p1 $0x0  }
0x36: {  	s30 =	simm.s32 $0x0;
	[sflag:s0] =	ssyncadd.s32 @!p1 $0xFFFFE700  }
0x37: {  	v0 =	vld [tilespmem:s30+$0x11C30]  }
0x38: {  	v1 =	vld [tilespmem:s30+$0x11C00]  }
0x39: {  	v2 =	vld [tilespmem:s30+$0x11C10]  }
0x3a: {  	s31 =	sor.u32 $0x1, s28;
	s0 =	simm.s32 $0x200;
	v3 =	vld [tilespmem:s30+$0x11C20]  }
.LBB2_5:
0x3b: {  	p1 =	sne.s32 s0, $0x6200  }
.Ltmp1:
0x3c: {  	s1 =	sshra.s32 s0, $0x2;
	s0 =	sadd.s32 $0x200, s0;
	[tilespmem:s30+$0x18C30] =	vst v0;
	(pc) =	sbr.rel @p1 .LBB2_5-.Ltmp1, $4  }
0x3d: {  	v0 =	vld [tilespmem:s1+$0x11C30];
	[tilespmem:s30+$0x18C00] =	vst v1  }
0x3e: {  	v1 =	vld [tilespmem:s1+$0x11C00];
	[tilespmem:s30+$0x18C10] =	vst v2  }
0x3f: {  	v2 =	vld [tilespmem:s1+$0x11C10];
	[tilespmem:s30+$0x18C20] =	vst v3;
	s30 =	smov.u32 s1  }
0x40: {  	v3 =	vld [tilespmem:s30+$0x11C20]  }
0x41: {  	_ = 	snop  }
0x42: {  	[tilespmem:s30+$0x18C30] =	vst v0  }
0x43: {  	[tilespmem:s30+$0x18C00] =	vst v1  }
0x44: {  	s0 =	sadd.s32 @!p0 $0x280, s29;
	s1 =	sadd.s32 s3, s31;
	[tilespmem:s30+$0x18C10] =	vst v2  }
0x45: {  	s31 =	simm.s32 @!p0 $0x11C00;
	s1 =	smul.u32 $0x380, s1;
	[tilespmem:s30+$0x18C20] =	vst v3;
	s30 =	simm.s32 @!p0 $0x32  }
0x46: {  	[tilespmem:s31], [sflag:$0x2] =	stream.indirect.gather @!p0 [hbm4b:s4+s30], $0x80, s0, s30, $0xb8;
	[tilespmem:$0x1A800] =	vst v63  }
0x47: {  	s1 =	sadd.s32 s5, s1;
	s31 =	simm.s32 $0x0  }
0x48: {  	[hbm4b:s1+s31] =	stream.linear.scatter [tilespmem:s20], [sflag:$0x6], $0x1900, $0x38;
	[tilespmem:$0x1A800] =	vst v63  }
0x49: {  	_ =	swait.ge [sflag:s21], $0x1900  }
0x4a: {  	[sflag:s21] =	ssyncset.done $0x0  }
0x4b: {  	[sflag:s21] =	ssyncadd.s32 $0xFFFFE700  }
0x4c: {  	_ =	swait.ge [sflag:s22], $0x1900  }
0x4d: {  	[sflag:s22] =	ssyncset.done $0x0  }
0x4e: {  	s30 =	simm.s32 $0x0;
	[sflag:s22] =	ssyncadd.s32 $0xFFFFE700  }
0x4f: {  	v2 =	vld [tilespmem:s30+$0x13830]  }
0x50: {  	v3 =	vld [tilespmem:s30+$0x13800]  }
0x51: {  	v0 =	vld [tilespmem:s30+$0x13810]  }
0x52: {  	s0 =	simm.s32 $0x200;
	v1 =	vld [tilespmem:s30+$0x13820]  }
.LBB2_7:
0x53: {  	p1 =	sne.s32 s0, $0x6200  }
.Ltmp2:
0x54: {  	s1 =	sshra.s32 s0, $0x2;
	s0 =	sadd.s32 $0x200, s0;
	[tilespmem:s30+$0x17030] =	vst v2;
	(pc) =	sbr.rel @p1 .LBB2_7-.Ltmp2, $4  }
0x55: {  	v2 =	vld [tilespmem:s1+$0x13830];
	[tilespmem:s30+$0x17000] =	vst v3  }
0x56: {  	v3 =	vld [tilespmem:s1+$0x13800];
	[tilespmem:s30+$0x17010] =	vst v0  }
0x57: {  	v0 =	vld [tilespmem:s1+$0x13810];
	[tilespmem:s30+$0x17020] =	vst v1;
	s30 =	smov.u32 s1  }
0x58: {  	v1 =	vld [tilespmem:s30+$0x13820]  }
0x59: {  	_ = 	snop  }
0x5a: {  	[tilespmem:s30+$0x17030] =	vst v2  }
0x5b: {  	s0 =	sor.u32 $0x2, s28;
	[tilespmem:s30+$0x17000] =	vst v3  }
0x5c: {  	s1 =	sadd.s32 @!p0 $0x300, s29;
	s0 =	sadd.s32 s3, s0;
	[tilespmem:s30+$0x17010] =	vst v0  }
0x5d: {  	s31 =	simm.s32 @!p0 $0x13800;
	s0 =	smul.u32 $0x380, s0;
	[tilespmem:s30+$0x17020] =	vst v1;
	s30 =	simm.s32 @!p0 $0x32  }
0x5e: {  	[tilespmem:s31], [sflag:$0x3] =	stream.indirect.gather @!p0 [hbm4b:s4+s30], $0x80, s1, s30, $0xb8;
	[tilespmem:$0x1A800] =	vst v63  }
0x5f: {  	s0 =	sadd.s32 s5, s0;
	s31 =	simm.s32 $0x0  }
0x60: {  	[hbm4b:s0+s31] =	stream.linear.scatter [tilespmem:s18], [sflag:$0x5], $0x1900, $0x38;
	[tilespmem:$0x1A800] =	vst v63  }
0x61: {  	_ =	swait.ge [sflag:s23], $0x1900  }
0x62: {  	[sflag:s23] =	ssyncset.done $0x0  }
0x63: {  	[sflag:s23] =	ssyncadd.s32 $0xFFFFE700  }
0x64: {  	_ =	swait.ge [sflag:s24], $0x1900  }
0x65: {  	[sflag:s24] =	ssyncset.done $0x0  }
0x66: {  	s30 =	simm.s32 $0x0;
	[sflag:s24] =	ssyncadd.s32 $0xFFFFE700  }
0x67: {  	v2 =	vld [tilespmem:s30+$0x15430]  }
0x68: {  	v3 =	vld [tilespmem:s30+$0x15400]  }
0x69: {  	v0 =	vld [tilespmem:s30+$0x15410]  }
0x6a: {  	s0 =	simm.s32 $0x200;
	v1 =	vld [tilespmem:s30+$0x15420]  }
.LBB2_9:
0x6b: {  	p1 =	sne.s32 s0, $0x6200  }
.Ltmp3:
0x6c: {  	s1 =	sshra.s32 s0, $0x2;
	s0 =	sadd.s32 $0x200, s0;
	[tilespmem:s30+$0x18C30] =	vst v2;
	(pc) =	sbr.rel @p1 .LBB2_9-.Ltmp3, $4  }
0x6d: {  	v2 =	vld [tilespmem:s1+$0x15430];
	[tilespmem:s30+$0x18C00] =	vst v3  }
0x6e: {  	v3 =	vld [tilespmem:s1+$0x15400];
	[tilespmem:s30+$0x18C10] =	vst v0  }
0x6f: {  	v0 =	vld [tilespmem:s1+$0x15410];
	[tilespmem:s30+$0x18C20] =	vst v1;
	s30 =	smov.u32 s1  }
0x70: {  	v1 =	vld [tilespmem:s30+$0x15420]  }
0x71: {  	_ = 	snop  }
0x72: {  	[tilespmem:s30+$0x18C30] =	vst v2  }
0x73: {  	[tilespmem:s30+$0x18C00] =	vst v3  }
0x74: {  	s0 =	sor.u32 $0x3, s28;
	s1 =	sadd.s32 @!p0 $0x380, s29;
	[tilespmem:s30+$0x18C10] =	vst v0  }
0x75: {  	s28 =	simm.s32 @!p0 $0x32;
	s29 =	simm.s32 @!p0 $0x15400;
	s26 =	sadd.s32 $0x1, s26;
	[tilespmem:s30+$0x18C20] =	vst v1  }
0x76: {  	[tilespmem:s29], [sflag:$0x4] =	stream.indirect.gather @!p0 [hbm4b:s4+s28], $0x80, s1, s28, $0xb8;
	[tilespmem:$0x1A800] =	vst v63  }
0x77: {  	p0 =	sne.s32 s26, $0x80  }
.Ltmp4:
0x78: {  	s0 =	sadd.s32 s3, s0;
	(pc) =	sbr.rel @p0 .LBB2_2-.Ltmp4, $3  }
0x79: {  	s0 =	smul.u32 $0x380, s0;
	_ =	sdelay $0x1  }
0x7a: {  	s0 =	sadd.s32 s5, s0  }
0x7b: {  	[hbm4b:s0+s2] =	stream.linear.scatter [tilespmem:s20], [sflag:$0x6], $0x1900, $0x38;
	[tilespmem:$0x1A800] =	vst v63  }
0x7c: {  	s25 =	sadd.s32 $0x1, s25  }
0x7d: {  	_ =	swait.ge [sflag:s22], $0x1900;
	p0 =	sne.s32 s25, s7  }
.Ltmp5:
0x7e: {  	[sflag:s22] =	ssyncset.done $0x0;
	(pc) =	sbr.rel @p0 .LBB2_1-.Ltmp5, $4  }
0x7f: {  	[sflag:s22] =	ssyncadd.s32 $0xFFFFE700  }
0x80: {  	_ =	swait.ge [sflag:s24], $0x1900  }
0x81: {  	[sflag:s24] =	ssyncset.done $0x0  }
0x82: {  	[sflag:s24] =	ssyncadd.s32 $0xFFFFE700  }
0x83: {  	_ =	sfence.sel $0x180000  }
0x84: {  	[bflag:$0x0] =	sbarrier.arrive $0xFFFF  }
0x85: {  	_ =	strace $0x90000047  }
0x86: {  	s0 =	stileid.u32;
	[bflag:$0x2] =	sbarrier.arrive $0xFFFF  }
0x87: {  	p0 =	sne.s32 s0, $0x0;
	s0 =	rddreg [dreg:$0x2]  }
0x88: {  	s0 =	sadd.s32 @!p0 $0x100000, s0  }
0x89: {  	[sflag:s0] =	ssyncadd.tile.s32 @!p0 $0x1;
	_ =	shalt  }
.Lfunc_end2:
_tile_overlayer_lowered:
.L_overlay_start_2:
0x8a: {  	(tag) =	ssettag $0x2  }
0x8b: {  	s0 =	rddreg [dreg:$0x0];
	s2 =	stileid.u32  }
0x8c: {  	s1 =	rddreg [dreg:$0x1];
	p0 =	sne.s32 s2, $0x0  }
0x8d: {  	s3 =	rddreg [dreg:$0x2];
	[bflag:$0x3] =	sbarrier.arrive $0xFFFF;
	s2 =	simm.s32 @!p0 $0x1C07  }
0x8e: {  	[timem:s3], [sflag:s2] =	dma.local @!p0 [hbm:s0], s1  }
0x8f: {  	s0 =	simm.s32 @!p0 $0x7  }
0x90: {  	_ =	swait.ge @!p0 [sflag:s0], s1  }
0x91: {  	s1 =	ssub.s32 @!p0 $0x0, s1;
	[sflag:s0] =	ssyncset.done @!p0 $0x0  }
0x92: {  	[sflag:s0] =	ssyncadd.s32 @!p0 s1  }
0x93: {  	[bflag:$0x3] =	sbarrier.arrive $0xFFFF  }
0x94: {  	_ =	shalt  }

</sc_bundles>
